<compile_context>
chip_gen: v7x
topology: tpu7x:2x2x1
jax: 0.10.2.dev20260603
libtpu: 0.0.44.dev20260713+nightly
codegen_flags: <defaults>
</compile_context>

<pallas_src>
import functools

import jax
import jax.numpy as jnp
from jax import lax
from jax.experimental import pallas as pl
from jax.experimental.pallas import tpu as pltpu
from jax.experimental.pallas import tpu_sc as plsc

N_CAT = 26
CARD1 = 100001
CAT_DIM = 36
N_NUM = 13
NUM_DIM = 8
CAT_OUT = N_CAT * CAT_DIM
NUM_OUT = N_NUM * NUM_DIM
IDXW = 128
LANES = 128

PACK_SUP = 4096
PACK_STEPS = 9
SUP_PER_SLAB = PACK_SUP * PACK_STEPS
PACKED_ROWS = N_CAT * SUP_PER_SLAB


def _pack_table(tbl_t):

    def body(a_ref, b_ref, c_ref, o_ref):
        a = a_ref[0]
        b = b_ref[0]
        c = c_ref[0]
        o_ref[...] = jnp.concatenate(
            [a.T, b.T, c.T, jnp.zeros((PACK_SUP, LANES - 3 * CAT_DIM),
                                      jnp.float32)], axis=1)

    return pl.pallas_call(
        body,
        grid=(N_CAT, PACK_STEPS),
        in_specs=[
            pl.BlockSpec((1, CAT_DIM, PACK_SUP), lambda i, j: (i, 0, j)),
            pl.BlockSpec((1, CAT_DIM, PACK_SUP),
                         lambda i, j: (i, 0, j + PACK_STEPS)),
            pl.BlockSpec((1, CAT_DIM, PACK_SUP),
                         lambda i, j: (i, 0,
                                       jnp.minimum(j + 2 * PACK_STEPS, 24))),
        ],
        out_specs=pl.BlockSpec((PACK_SUP, LANES),
                               lambda i, j: (i * PACK_STEPS + j, 0)),
        out_shape=jax.ShapeDtypeStruct((PACKED_ROWS, LANES), jnp.float32),
    )(tbl_t, tbl_t, tbl_t)


@functools.lru_cache(maxsize=None)
def _make_gather(B: int):
    info = plsc.get_sparse_core_info()
    NC, NS = info.num_cores, info.num_subcores
    NW = NC * NS
    TOTAL = B * N_CAT
    NROWS = TOTAL // IDXW
    per_w = NROWS // NW
    G = 4
    CHUNKS = per_w // G

    mesh = plsc.VectorSubcoreMesh(core_axis_name="c", subcore_axis_name="s")

    @functools.partial(
        pl.kernel,
        mesh=mesh,
        out_type=jax.ShapeDtypeStruct((TOTAL, LANES), jnp.float32),
        scratch_types=(
            [pltpu.VMEM((IDXW,), jnp.int32) for _ in range(G)]
            + [pltpu.VMEM((IDXW, LANES), jnp.float32) for _ in range(G)]
            + [pltpu.SemaphoreType.DMA]
        ),
    )
    def gather_k(tbl_hbm, idx_hbm, out_hbm, *scratch):
        idx_vs = scratch[:G]
        rows_vs = scratch[G:2 * G]
        sem = scratch[2 * G]
        wid = lax.axis_index("s") * NC + lax.axis_index("c")

        def body(g, carry):
            r0 = pl.multiple_of((wid * per_w + g * G) * IDXW, IDXW)
            for j in range(G):
                pltpu.sync_copy(
                    idx_hbm.at[pl.ds(pl.multiple_of(r0 + j * IDXW, IDXW), IDXW)],
                    idx_vs[j])
            copies = [
                pltpu.async_copy(tbl_hbm.at[idx_vs[j]], rows_vs[j], sem)
                for j in range(G)
            ]
            for c in copies:
                c.wait()
            for j in range(G):
                pltpu.sync_copy(
                    rows_vs[j],
                    out_hbm.at[pl.ds(pl.multiple_of(r0 + j * IDXW, IDXW), IDXW)])
            return carry

        lax.fori_loop(0, CHUNKS, body, 0)

    return gather_k


def _combine(sup_flat, par, num_values, smat, bias, B):
    BB = 512
    D = CAT_OUT + NUM_OUT

    def body(sup_ref, par_ref, nv_ref, s_ref, b_ref, out_ref):
        p = par_ref[...]
        parts = []
        for g in range(N_CAT):
            y = sup_ref[:, pl.ds(g * 8, 8), :][...]
            y = y.reshape(BB, LANES)
            x0 = y[:, 0:CAT_DIM]
            x1 = y[:, CAT_DIM:2 * CAT_DIM]
            x2 = y[:, 2 * CAT_DIM:3 * CAT_DIM]
            pg = p[:, g:g + 1]
            parts.append(jnp.where(pg < 0.5, x0, jnp.where(pg < 1.5, x1, x2)))
        num = jax.nn.relu(
            jnp.dot(nv_ref[...], s_ref[...],
                    preferred_element_type=jnp.float32,
                    precision=jax.lax.Precision.HIGHEST) + b_ref[...])
        out_ref[...] = jnp.concatenate(parts + [num], axis=1)

    return pl.pallas_call(
        body,
        grid=(B // BB,),
        in_specs=[
            pl.BlockSpec((BB // 8, N_CAT * 8, LANES), lambda i: (i, 0, 0)),
            pl.BlockSpec((BB, N_CAT), lambda i: (i, 0)),
            pl.BlockSpec((BB, N_NUM), lambda i: (i, 0)),
            pl.BlockSpec((N_NUM, NUM_OUT), lambda i: (0, 0)),
            pl.BlockSpec((1, NUM_OUT), lambda i: (0, 0)),
        ],
        out_specs=pl.BlockSpec((BB, D), lambda i: (i, 0)),
        out_shape=jax.ShapeDtypeStruct((B, D), jnp.float32),
    )(sup_flat, par, num_values, smat, bias)


def kernel(cat_indices, num_values, cat_tables, num_w, num_b):
    B = cat_indices.shape[0]
    tbl_t = jnp.transpose(cat_tables, (0, 2, 1))
    tbl2 = _pack_table(tbl_t)
    offs2 = (jnp.arange(N_CAT, dtype=jnp.int32) * SUP_PER_SLAB)[None, :]
    third = cat_indices // SUP_PER_SLAB
    sidx2 = cat_indices - third * SUP_PER_SLAB + offs2
    sidx = (sidx2.reshape(B // 8, 8, N_CAT)
            .transpose(0, 2, 1).reshape(B * N_CAT))
    par = third.astype(jnp.float32)
    sup = _make_gather(B)(tbl2, sidx)
    sup_flat = sup.reshape(B // 8, N_CAT * 8, LANES)
    j = jnp.arange(N_NUM)
    smat = jnp.zeros((N_NUM, NUM_OUT), jnp.float32).at[
        j[:, None], j[:, None] * NUM_DIM + jnp.arange(NUM_DIM)[None, :]
    ].set(num_w)
    bias = num_b.reshape(1, NUM_OUT)
    return _combine(sup_flat, par, num_values, smat, bias, B)

# --- scband reference (transcript-rebuilt; emitter-appended) ---
"""Pipeline reference for scband-feature-encoder-18425409700435 (READ-ONLY COPY).

The authoritative reference and input builder live on the scoring server;
editing this copy changes nothing except your own understanding.
"""

import jax, jax.numpy as jnp
import numpy as np

N_CAT = 26
CARDINALITY = 100000
CAT_DIM = 36
N_NUM = 13
NUM_DIM = 8
BATCH = 16384


def setup_inputs(seed: int = 0) -> dict:
    key = jax.random.key(seed)
    k1, k2, k3, k4, k5 = jax.random.split(key, 5)
    cat_indices = jax.random.randint(k1, (BATCH, N_CAT), 0, CARDINALITY, dtype=jnp.int32)
    # One embedding table per categorical group: (cardinality + 1, dim), padding_idx=0
    cat_tables = jax.random.normal(k2, (N_CAT, CARDINALITY + 1, CAT_DIM), dtype=jnp.float32) * 0.02
    cat_tables = cat_tables.at[:, 0, :].set(0.0)
    # One Linear(1, NUM_DIM) per numerical group: weight (NUM_DIM, 1) stored flat, plus bias
    num_w = jax.random.normal(k3, (N_NUM, NUM_DIM), dtype=jnp.float32)
    num_b = jax.random.normal(k4, (N_NUM, NUM_DIM), dtype=jnp.float32) * 0.1
    num_values = jax.random.normal(k5, (BATCH, N_NUM), dtype=jnp.float32)
    return {
        "cat_indices": cat_indices,
        "num_values": num_values,
        "cat_tables": cat_tables,
        "num_w": num_w,
        "num_b": num_b,
    }


def reference(cat_indices, num_values, cat_tables, num_w, num_b):
    B = cat_indices.shape[0]
    embeddings = []
    # Categorical features: nn.Embedding lookup per group
    for i in range(N_CAT):
        emb = jnp.take(cat_tables[i], cat_indices[:, i], axis=0)  # [B, CAT_DIM]
        embeddings.append(emb)
    # Numerical features: value.unsqueeze(-1) -> Linear(1, dim) -> ReLU
    for j in range(N_NUM):
        v = num_values[:, j:j + 1]  # [B, 1]
        emb = jax.nn.relu(v * num_w[j][None, :] + num_b[j][None, :])  # [B, NUM_DIM]
        embeddings.append(emb)
    # flatten each to [B, -1] and concat along dim 1
    flattened = [e.reshape(B, -1) for e in embeddings]
    combined = jnp.concatenate(flattened, axis=1)  # [B, 26*36 + 13*8] = [B, 1040]
    return combined

if __name__ == "__main__":
    import jax
    _d = setup_inputs()
    print(jax.jit(kernel)(*tuple(_d.values())))

</pallas_src>

<mosaic_0001>
#map = affine_map<(d0, d1) -> (0, 0)>
#map1 = affine_map<(d0, d1) -> (0)>
module attributes {stable_mosaic.version = 14 : i64} {
  func.func @gather_k(%arg0: i32, %arg1: i32, %arg2: memref<958464x128xf32, #tpu.memory_space<hbm>>, %arg3: memref<425984xi32, #tpu.memory_space<hbm>>, %arg4: memref<425984x128xf32, #tpu.memory_space<hbm>>, %arg5: memref<128xi32, #tpu.memory_space<vmem>>, %arg6: memref<128xi32, #tpu.memory_space<vmem>>, %arg7: memref<128xi32, #tpu.memory_space<vmem>>, %arg8: memref<128xi32, #tpu.memory_space<vmem>>, %arg9: memref<128x128xf32, #tpu.memory_space<vmem>>, %arg10: memref<128x128xf32, #tpu.memory_space<vmem>>, %arg11: memref<128x128xf32, #tpu.memory_space<vmem>>, %arg12: memref<128x128xf32, #tpu.memory_space<vmem>>, %arg13: memref<!tpu.dma_semaphore, #tpu.memory_space<semaphore_mem>>) attributes {dimension_semantics = [#tpu.dimension_semantics<core_parallel>, #tpu.dimension_semantics<subcore_parallel>], iteration_bounds = array<i64: 2, 16>, scalar_prefetch = 0 : i64, scratch_operands = 9 : i64, tpu.core_type = #tpu.core_type<sc_vector_subcore>, window_params = [{transform_indices = #map}, {transform_indices = #map1}, {transform_indices = #map}]} {
    %mul3A = arith.constant 2 : i32
    %mul3A_0 = arith.muli %arg1, %mul3A : i32
    %add3A = arith.addi %mul3A_0, %arg0 : i32
    %scan3A = arith.constant 0 : i32
    %scan3A_1 = arith.constant 0 : i32
    %scan3A_2 = arith.constant 26 : i32
    %scan3A_3 = arith.addi %scan3A_1, %scan3A_2 : i32
    %scan3A_4 = arith.constant 1 : i32
    scf.for %scan3A_6 = %scan3A_1 to %scan3A_3 step %scan3A_4  : i32 {
      %mul3A_7 = arith.constant 104 : i32
      %mul3A_8 = arith.muli %add3A, %mul3A_7 : i32
      %mul3A_9 = arith.constant 4 : i32
      %mul3A_10 = arith.muli %scan3A_6, %mul3A_9 : i32
      %add3A_11 = arith.addi %mul3A_8, %mul3A_10 : i32
      %mul3A_12 = arith.constant 128 : i32
      %mul3A_13 = arith.muli %add3A_11, %mul3A_12 : i32
      %multiple_of3A = tpu.assume_multiple %mul3A_13, 128 : i32
      %add3A_14 = arith.constant 0 : i32
      %add3A_15 = arith.addi %multiple_of3A, %add3A_14 : i32
      %multiple_of3A_16 = tpu.assume_multiple %add3A_15, 128 : i32
      "tpu.region"() ({
        %run_scoped3A = tpu.sem_alloc : memref<!tpu.dma_semaphore, #tpu.memory_space<semaphore_mem>>
        %dma_start3A_60 = tpu.memref_slice %arg3[%multiple_of3A_16] : memref<425984xi32, #tpu.memory_space<hbm>> -> memref<128xi32, #tpu.memory_space<hbm>>
        %dma_start3A_61 = tpu.memref_slice %arg3[%multiple_of3A_16] : memref<425984xi32, #tpu.memory_space<hbm>> -> memref<128xi32, #tpu.memory_space<hbm>>
        tpu.enqueue_dma source(%dma_start3A_61 : memref<128xi32, #tpu.memory_space<hbm>>) target(%arg5 : memref<128xi32, #tpu.memory_space<vmem>>) target_semaphore(%run_scoped3A : memref<!tpu.dma_semaphore, #tpu.memory_space<semaphore_mem>>)
        %dma_wait3A_62 = tpu.memref_slice %arg3[%multiple_of3A_16] : memref<425984xi32, #tpu.memory_space<hbm>> -> memref<128xi32, #tpu.memory_space<hbm>>
        %dma_wait3A_63 = tpu.memref_slice %arg3[%multiple_of3A_16] : memref<425984xi32, #tpu.memory_space<hbm>> -> memref<128xi32, #tpu.memory_space<hbm>>
        tpu.wait_dma2 semaphore(%run_scoped3A : memref<!tpu.dma_semaphore, #tpu.memory_space<semaphore_mem>>) src(%dma_wait3A_63 : memref<128xi32, #tpu.memory_space<hbm>>) dst(%arg5 : memref<128xi32, #tpu.memory_space<vmem>>)
        tpu.yield
      }) : () -> ()
      %add3A_17 = arith.constant 128 : i32
      %add3A_18 = arith.addi %multiple_of3A, %add3A_17 : i32
      %multiple_of3A_19 = tpu.assume_multiple %add3A_18, 128 : i32
      "tpu.region"() ({
        %run_scoped3A = tpu.sem_alloc : memref<!tpu.dma_semaphore, #tpu.memory_space<semaphore_mem>>
        %dma_start3A_60 = tpu.memref_slice %arg3[%multiple_of3A_19] : memref<425984xi32, #tpu.memory_space<hbm>> -> memref<128xi32, #tpu.memory_space<hbm>>
        %dma_start3A_61 = tpu.memref_slice %arg3[%multiple_of3A_19] : memref<425984xi32, #tpu.memory_space<hbm>> -> memref<128xi32, #tpu.memory_space<hbm>>
        tpu.enqueue_dma source(%dma_start3A_61 : memref<128xi32, #tpu.memory_space<hbm>>) target(%arg6 : memref<128xi32, #tpu.memory_space<vmem>>) target_semaphore(%run_scoped3A : memref<!tpu.dma_semaphore, #tpu.memory_space<semaphore_mem>>)
        %dma_wait3A_62 = tpu.memref_slice %arg3[%multiple_of3A_19] : memref<425984xi32, #tpu.memory_space<hbm>> -> memref<128xi32, #tpu.memory_space<hbm>>
        %dma_wait3A_63 = tpu.memref_slice %arg3[%multiple_of3A_19] : memref<425984xi32, #tpu.memory_space<hbm>> -> memref<128xi32, #tpu.memory_space<hbm>>
        tpu.wait_dma2 semaphore(%run_scoped3A : memref<!tpu.dma_semaphore, #tpu.memory_space<semaphore_mem>>) src(%dma_wait3A_63 : memref<128xi32, #tpu.memory_space<hbm>>) dst(%arg6 : memref<128xi32, #tpu.memory_space<vmem>>)
        tpu.yield
      }) : () -> ()
      %add3A_20 = arith.constant 256 : i32
      %add3A_21 = arith.addi %multiple_of3A, %add3A_20 : i32
      %multiple_of3A_22 = tpu.assume_multiple %add3A_21, 128 : i32
      "tpu.region"() ({
        %run_scoped3A = tpu.sem_alloc : memref<!tpu.dma_semaphore, #tpu.memory_space<semaphore_mem>>
        %dma_start3A_60 = tpu.memref_slice %arg3[%multiple_of3A_22] : memref<425984xi32, #tpu.memory_space<hbm>> -> memref<128xi32, #tpu.memory_space<hbm>>
        %dma_start3A_61 = tpu.memref_slice %arg3[%multiple_of3A_22] : memref<425984xi32, #tpu.memory_space<hbm>> -> memref<128xi32, #tpu.memory_space<hbm>>
        tpu.enqueue_dma source(%dma_start3A_61 : memref<128xi32, #tpu.memory_space<hbm>>) target(%arg7 : memref<128xi32, #tpu.memory_space<vmem>>) target_semaphore(%run_scoped3A : memref<!tpu.dma_semaphore, #tpu.memory_space<semaphore_mem>>)
        %dma_wait3A_62 = tpu.memref_slice %arg3[%multiple_of3A_22] : memref<425984xi32, #tpu.memory_space<hbm>> -> memref<128xi32, #tpu.memory_space<hbm>>
        %dma_wait3A_63 = tpu.memref_slice %arg3[%multiple_of3A_22] : memref<425984xi32, #tpu.memory_space<hbm>> -> memref<128xi32, #tpu.memory_space<hbm>>
        tpu.wait_dma2 semaphore(%run_scoped3A : memref<!tpu.dma_semaphore, #tpu.memory_space<semaphore_mem>>) src(%dma_wait3A_63 : memref<128xi32, #tpu.memory_space<hbm>>) dst(%arg7 : memref<128xi32, #tpu.memory_space<vmem>>)
        tpu.yield
      }) : () -> ()
      %add3A_23 = arith.constant 384 : i32
      %add3A_24 = arith.addi %multiple_of3A, %add3A_23 : i32
      %multiple_of3A_25 = tpu.assume_multiple %add3A_24, 128 : i32
      "tpu.region"() ({
        %run_scoped3A = tpu.sem_alloc : memref<!tpu.dma_semaphore, #tpu.memory_space<semaphore_mem>>
        %dma_start3A_60 = tpu.memref_slice %arg3[%multiple_of3A_25] : memref<425984xi32, #tpu.memory_space<hbm>> -> memref<128xi32, #tpu.memory_space<hbm>>
        %dma_start3A_61 = tpu.memref_slice %arg3[%multiple_of3A_25] : memref<425984xi32, #tpu.memory_space<hbm>> -> memref<128xi32, #tpu.memory_space<hbm>>
        tpu.enqueue_dma source(%dma_start3A_61 : memref<128xi32, #tpu.memory_space<hbm>>) target(%arg8 : memref<128xi32, #tpu.memory_space<vmem>>) target_semaphore(%run_scoped3A : memref<!tpu.dma_semaphore, #tpu.memory_space<semaphore_mem>>)
        %dma_wait3A_62 = tpu.memref_slice %arg3[%multiple_of3A_25] : memref<425984xi32, #tpu.memory_space<hbm>> -> memref<128xi32, #tpu.memory_space<hbm>>
        %dma_wait3A_63 = tpu.memref_slice %arg3[%multiple_of3A_25] : memref<425984xi32, #tpu.memory_space<hbm>> -> memref<128xi32, #tpu.memory_space<hbm>>
        tpu.wait_dma2 semaphore(%run_scoped3A : memref<!tpu.dma_semaphore, #tpu.memory_space<semaphore_mem>>) src(%dma_wait3A_63 : memref<128xi32, #tpu.memory_space<hbm>>) dst(%arg8 : memref<128xi32, #tpu.memory_space<vmem>>)
        tpu.yield
      }) : () -> ()
      %dma_start3A = arith.constant 0 : i32
      %dma_start3A_26 = arith.constant 0 : i32
      %dma_start3A_27 = tpu.memref_slice %arg2[%dma_start3A, %dma_start3A_26] : memref<958464x128xf32, #tpu.memory_space<hbm>> -> memref<958464x128xf32, #tpu.memory_space<hbm>>
      tpu.enqueue_indirect_dma source(%dma_start3A_27 : memref<958464x128xf32, #tpu.memory_space<hbm>>) target(%arg9 : memref<128x128xf32, #tpu.memory_space<vmem>>) offsets(%arg5 : memref<128xi32, #tpu.memory_space<vmem>>) semaphore(%arg13 : memref<!tpu.dma_semaphore, #tpu.memory_space<semaphore_mem>>)
      %dma_start3A_28 = arith.constant 0 : i32
      %dma_start3A_29 = arith.constant 0 : i32
      %dma_start3A_30 = tpu.memref_slice %arg2[%dma_start3A_28, %dma_start3A_29] : memref<958464x128xf32, #tpu.memory_space<hbm>> -> memref<958464x128xf32, #tpu.memory_space<hbm>>
      tpu.enqueue_indirect_dma source(%dma_start3A_30 : memref<958464x128xf32, #tpu.memory_space<hbm>>) target(%arg10 : memref<128x128xf32, #tpu.memory_space<vmem>>) offsets(%arg6 : memref<128xi32, #tpu.memory_space<vmem>>) semaphore(%arg13 : memref<!tpu.dma_semaphore, #tpu.memory_space<semaphore_mem>>)
      %dma_start3A_31 = arith.constant 0 : i32
      %dma_start3A_32 = arith.constant 0 : i32
      %dma_start3A_33 = tpu.memref_slice %arg2[%dma_start3A_31, %dma_start3A_32] : memref<958464x128xf32, #tpu.memory_space<hbm>> -> memref<958464x128xf32, #tpu.memory_space<hbm>>
      tpu.enqueue_indirect_dma source(%dma_start3A_33 : memref<958464x128xf32, #tpu.memory_space<hbm>>) target(%arg11 : memref<128x128xf32, #tpu.memory_space<vmem>>) offsets(%arg7 : memref<128xi32, #tpu.memory_space<vmem>>) semaphore(%arg13 : memref<!tpu.dma_semaphore, #tpu.memory_space<semaphore_mem>>)
      %dma_start3A_34 = arith.constant 0 : i32
      %dma_start3A_35 = arith.constant 0 : i32
      %dma_start3A_36 = tpu.memref_slice %arg2[%dma_start3A_34, %dma_start3A_35] : memref<958464x128xf32, #tpu.memory_space<hbm>> -> memref<958464x128xf32, #tpu.memory_space<hbm>>
      tpu.enqueue_indirect_dma source(%dma_start3A_36 : memref<958464x128xf32, #tpu.memory_space<hbm>>) target(%arg12 : memref<128x128xf32, #tpu.memory_space<vmem>>) offsets(%arg8 : memref<128xi32, #tpu.memory_space<vmem>>) semaphore(%arg13 : memref<!tpu.dma_semaphore, #tpu.memory_space<semaphore_mem>>)
      %dma_wait3A = arith.constant 0 : i32
      %dma_wait3A_37 = arith.constant 0 : i32
      %dma_wait3A_38 = tpu.memref_slice %arg2[%dma_wait3A, %dma_wait3A_37] : memref<958464x128xf32, #tpu.memory_space<hbm>> -> memref<958464x128xf32, #tpu.memory_space<hbm>>
      tpu.wait_indirect_dma semaphore(%arg13 : memref<!tpu.dma_semaphore, #tpu.memory_space<semaphore_mem>>) src(%dma_wait3A_38 : memref<958464x128xf32, #tpu.memory_space<hbm>>) dst(%arg9 : memref<128x128xf32, #tpu.memory_space<vmem>>)
      %dma_wait3A_39 = arith.constant 0 : i32
      %dma_wait3A_40 = arith.constant 0 : i32
      %dma_wait3A_41 = tpu.memref_slice %arg2[%dma_wait3A_39, %dma_wait3A_40] : memref<958464x128xf32, #tpu.memory_space<hbm>> -> memref<958464x128xf32, #tpu.memory_space<hbm>>
      tpu.wait_indirect_dma semaphore(%arg13 : memref<!tpu.dma_semaphore, #tpu.memory_space<semaphore_mem>>) src(%dma_wait3A_41 : memref<958464x128xf32, #tpu.memory_space<hbm>>) dst(%arg10 : memref<128x128xf32, #tpu.memory_space<vmem>>)
      %dma_wait3A_42 = arith.constant 0 : i32
      %dma_wait3A_43 = arith.constant 0 : i32
      %dma_wait3A_44 = tpu.memref_slice %arg2[%dma_wait3A_42, %dma_wait3A_43] : memref<958464x128xf32, #tpu.memory_space<hbm>> -> memref<958464x128xf32, #tpu.memory_space<hbm>>
      tpu.wait_indirect_dma semaphore(%arg13 : memref<!tpu.dma_semaphore, #tpu.memory_space<semaphore_mem>>) src(%dma_wait3A_44 : memref<958464x128xf32, #tpu.memory_space<hbm>>) dst(%arg11 : memref<128x128xf32, #tpu.memory_space<vmem>>)
      %dma_wait3A_45 = arith.constant 0 : i32
      %dma_wait3A_46 = arith.constant 0 : i32
      %dma_wait3A_47 = tpu.memref_slice %arg2[%dma_wait3A_45, %dma_wait3A_46] : memref<958464x128xf32, #tpu.memory_space<hbm>> -> memref<958464x128xf32, #tpu.memory_space<hbm>>
      tpu.wait_indirect_dma semaphore(%arg13 : memref<!tpu.dma_semaphore, #tpu.memory_space<semaphore_mem>>) src(%dma_wait3A_47 : memref<958464x128xf32, #tpu.memory_space<hbm>>) dst(%arg12 : memref<128x128xf32, #tpu.memory_space<vmem>>)
      %add3A_48 = arith.constant 0 : i32
      %add3A_49 = arith.addi %multiple_of3A, %add3A_48 : i32
      %multiple_of3A_50 = tpu.assume_multiple %add3A_49, 128 : i32
      "tpu.region"() ({
        %run_scoped3A = tpu.sem_alloc : memref<!tpu.dma_semaphore, #tpu.memory_space<semaphore_mem>>
        %dma_start3A_60 = arith.constant 0 : i32
        %dma_start3A_61 = tpu.memref_slice %arg4[%multiple_of3A_50, %dma_start3A_60] : memref<425984x128xf32, #tpu.memory_space<hbm>> -> memref<128x128xf32, #tpu.memory_space<hbm>>
        %dma_start3A_62 = arith.constant 0 : i32
        %dma_start3A_63 = tpu.memref_slice %arg4[%multiple_of3A_50, %dma_start3A_62] : memref<425984x128xf32, #tpu.memory_space<hbm>> -> memref<128x128xf32, #tpu.memory_space<hbm>>
        tpu.enqueue_dma source(%arg9 : memref<128x128xf32, #tpu.memory_space<vmem>>) target(%dma_start3A_63 : memref<128x128xf32, #tpu.memory_space<hbm>>) target_semaphore(%run_scoped3A : memref<!tpu.dma_semaphore, #tpu.memory_space<semaphore_mem>>)
        %dma_wait3A_64 = arith.constant 0 : i32
        %dma_wait3A_65 = tpu.memref_slice %arg4[%multiple_of3A_50, %dma_wait3A_64] : memref<425984x128xf32, #tpu.memory_space<hbm>> -> memref<128x128xf32, #tpu.memory_space<hbm>>
        %dma_wait3A_66 = arith.constant 0 : i32
        %dma_wait3A_67 = tpu.memref_slice %arg4[%multiple_of3A_50, %dma_wait3A_66] : memref<425984x128xf32, #tpu.memory_space<hbm>> -> memref<128x128xf32, #tpu.memory_space<hbm>>
        tpu.wait_dma2 semaphore(%run_scoped3A : memref<!tpu.dma_semaphore, #tpu.memory_space<semaphore_mem>>) src(%arg9 : memref<128x128xf32, #tpu.memory_space<vmem>>) dst(%dma_wait3A_67 : memref<128x128xf32, #tpu.memory_space<hbm>>)
        tpu.yield
      }) : () -> ()
      %add3A_51 = arith.constant 128 : i32
      %add3A_52 = arith.addi %multiple_of3A, %add3A_51 : i32
      %multiple_of3A_53 = tpu.assume_multiple %add3A_52, 128 : i32
      "tpu.region"() ({
        %run_scoped3A = tpu.sem_alloc : memref<!tpu.dma_semaphore, #tpu.memory_space<semaphore_mem>>
        %dma_start3A_60 = arith.constant 0 : i32
        %dma_start3A_61 = tpu.memref_slice %arg4[%multiple_of3A_53, %dma_start3A_60] : memref<425984x128xf32, #tpu.memory_space<hbm>> -> memref<128x128xf32, #tpu.memory_space<hbm>>
        %dma_start3A_62 = arith.constant 0 : i32
        %dma_start3A_63 = tpu.memref_slice %arg4[%multiple_of3A_53, %dma_start3A_62] : memref<425984x128xf32, #tpu.memory_space<hbm>> -> memref<128x128xf32, #tpu.memory_space<hbm>>
        tpu.enqueue_dma source(%arg10 : memref<128x128xf32, #tpu.memory_space<vmem>>) target(%dma_start3A_63 : memref<128x128xf32, #tpu.memory_space<hbm>>) target_semaphore(%run_scoped3A : memref<!tpu.dma_semaphore, #tpu.memory_space<semaphore_mem>>)
        %dma_wait3A_64 = arith.constant 0 : i32
        %dma_wait3A_65 = tpu.memref_slice %arg4[%multiple_of3A_53, %dma_wait3A_64] : memref<425984x128xf32, #tpu.memory_space<hbm>> -> memref<128x128xf32, #tpu.memory_space<hbm>>
        %dma_wait3A_66 = arith.constant 0 : i32
        %dma_wait3A_67 = tpu.memref_slice %arg4[%multiple_of3A_53, %dma_wait3A_66] : memref<425984x128xf32, #tpu.memory_space<hbm>> -> memref<128x128xf32, #tpu.memory_space<hbm>>
        tpu.wait_dma2 semaphore(%run_scoped3A : memref<!tpu.dma_semaphore, #tpu.memory_space<semaphore_mem>>) src(%arg10 : memref<128x128xf32, #tpu.memory_space<vmem>>) dst(%dma_wait3A_67 : memref<128x128xf32, #tpu.memory_space<hbm>>)
        tpu.yield
      }) : () -> ()
      %add3A_54 = arith.constant 256 : i32
      %add3A_55 = arith.addi %multiple_of3A, %add3A_54 : i32
      %multiple_of3A_56 = tpu.assume_multiple %add3A_55, 128 : i32
      "tpu.region"() ({
        %run_scoped3A = tpu.sem_alloc : memref<!tpu.dma_semaphore, #tpu.memory_space<semaphore_mem>>
        %dma_start3A_60 = arith.constant 0 : i32
        %dma_start3A_61 = tpu.memref_slice %arg4[%multiple_of3A_56, %dma_start3A_60] : memref<425984x128xf32, #tpu.memory_space<hbm>> -> memref<128x128xf32, #tpu.memory_space<hbm>>
        %dma_start3A_62 = arith.constant 0 : i32
        %dma_start3A_63 = tpu.memref_slice %arg4[%multiple_of3A_56, %dma_start3A_62] : memref<425984x128xf32, #tpu.memory_space<hbm>> -> memref<128x128xf32, #tpu.memory_space<hbm>>
        tpu.enqueue_dma source(%arg11 : memref<128x128xf32, #tpu.memory_space<vmem>>) target(%dma_start3A_63 : memref<128x128xf32, #tpu.memory_space<hbm>>) target_semaphore(%run_scoped3A : memref<!tpu.dma_semaphore, #tpu.memory_space<semaphore_mem>>)
        %dma_wait3A_64 = arith.constant 0 : i32
        %dma_wait3A_65 = tpu.memref_slice %arg4[%multiple_of3A_56, %dma_wait3A_64] : memref<425984x128xf32, #tpu.memory_space<hbm>> -> memref<128x128xf32, #tpu.memory_space<hbm>>
        %dma_wait3A_66 = arith.constant 0 : i32
        %dma_wait3A_67 = tpu.memref_slice %arg4[%multiple_of3A_56, %dma_wait3A_66] : memref<425984x128xf32, #tpu.memory_space<hbm>> -> memref<128x128xf32, #tpu.memory_space<hbm>>
        tpu.wait_dma2 semaphore(%run_scoped3A : memref<!tpu.dma_semaphore, #tpu.memory_space<semaphore_mem>>) src(%arg11 : memref<128x128xf32, #tpu.memory_space<vmem>>) dst(%dma_wait3A_67 : memref<128x128xf32, #tpu.memory_space<hbm>>)
        tpu.yield
      }) : () -> ()
      %add3A_57 = arith.constant 384 : i32
      %add3A_58 = arith.addi %multiple_of3A, %add3A_57 : i32
      %multiple_of3A_59 = tpu.assume_multiple %add3A_58, 128 : i32
      "tpu.region"() ({
        %run_scoped3A = tpu.sem_alloc : memref<!tpu.dma_semaphore, #tpu.memory_space<semaphore_mem>>
        %dma_start3A_60 = arith.constant 0 : i32
        %dma_start3A_61 = tpu.memref_slice %arg4[%multiple_of3A_59, %dma_start3A_60] : memref<425984x128xf32, #tpu.memory_space<hbm>> -> memref<128x128xf32, #tpu.memory_space<hbm>>
        %dma_start3A_62 = arith.constant 0 : i32
        %dma_start3A_63 = tpu.memref_slice %arg4[%multiple_of3A_59, %dma_start3A_62] : memref<425984x128xf32, #tpu.memory_space<hbm>> -> memref<128x128xf32, #tpu.memory_space<hbm>>
        tpu.enqueue_dma source(%arg12 : memref<128x128xf32, #tpu.memory_space<vmem>>) target(%dma_start3A_63 : memref<128x128xf32, #tpu.memory_space<hbm>>) target_semaphore(%run_scoped3A : memref<!tpu.dma_semaphore, #tpu.memory_space<semaphore_mem>>)
        %dma_wait3A_64 = arith.constant 0 : i32
        %dma_wait3A_65 = tpu.memref_slice %arg4[%multiple_of3A_59, %dma_wait3A_64] : memref<425984x128xf32, #tpu.memory_space<hbm>> -> memref<128x128xf32, #tpu.memory_space<hbm>>
        %dma_wait3A_66 = arith.constant 0 : i32
        %dma_wait3A_67 = tpu.memref_slice %arg4[%multiple_of3A_59, %dma_wait3A_66] : memref<425984x128xf32, #tpu.memory_space<hbm>> -> memref<128x128xf32, #tpu.memory_space<hbm>>
        tpu.wait_dma2 semaphore(%run_scoped3A : memref<!tpu.dma_semaphore, #tpu.memory_space<semaphore_mem>>) src(%arg12 : memref<128x128xf32, #tpu.memory_space<vmem>>) dst(%dma_wait3A_67 : memref<128x128xf32, #tpu.memory_space<hbm>>)
        tpu.yield
      }) : () -> ()
    }
    %scan3A_5 = arith.constant 26 : i32
    return
  }
}

module attributes {stable_mosaic.version = 14 : i64} {
  func.func @body(%arg0: i32, %arg1: i32, %arg2: memref<1x36x4096xf32, #tpu.memory_space<vmem>>, %arg3: memref<1x36x4096xf32, #tpu.memory_space<vmem>>, %arg4: memref<1x36x4096xf32, #tpu.memory_space<vmem>>, %arg5: memref<4096x128xf32, #tpu.memory_space<vmem>>) attributes {dimension_semantics = [#tpu.dimension_semantics<arbitrary>, #tpu.dimension_semantics<arbitrary>], iteration_bounds = array<i64: 26, 9>, scalar_prefetch = 0 : i64, scratch_operands = 0 : i64, tpu.core_type = #tpu.core_type<tc>, window_params = [{transform_indices = @transform_0, window_bounds = array<i64: 1, 36, 4096>}, {transform_indices = @transform_1, window_bounds = array<i64: 1, 36, 4096>}, {transform_indices = @transform_2, window_bounds = array<i64: 1, 36, 4096>}, {transform_indices = @transform_3, window_bounds = array<i64: 4096, 128>}]} {
    %get3A = arith.constant 0 : index
    %get3A_0 = arith.constant 0 : index
    %get3A_1 = arith.constant 0 : index
    %get3A_2 = vector.load %arg2[%get3A, %get3A_0, %get3A_1] : memref<1x36x4096xf32, #tpu.memory_space<vmem>>, vector<1x36x4096xf32>
    %get3A_3 = vector.shape_cast %get3A_2 : vector<1x36x4096xf32> to vector<36x4096xf32>
    %get3A_4 = arith.constant 0 : index
    %get3A_5 = arith.constant 0 : index
    %get3A_6 = arith.constant 0 : index
    %get3A_7 = vector.load %arg3[%get3A_4, %get3A_5, %get3A_6] : memref<1x36x4096xf32, #tpu.memory_space<vmem>>, vector<1x36x4096xf32>
    %get3A_8 = vector.shape_cast %get3A_7 : vector<1x36x4096xf32> to vector<36x4096xf32>
    %get3A_9 = arith.constant 0 : index
    %get3A_10 = arith.constant 0 : index
    %get3A_11 = arith.constant 0 : index
    %get3A_12 = vector.load %arg4[%get3A_9, %get3A_10, %get3A_11] : memref<1x36x4096xf32, #tpu.memory_space<vmem>>, vector<1x36x4096xf32>
    %get3A_13 = vector.shape_cast %get3A_12 : vector<1x36x4096xf32> to vector<36x4096xf32>
    %transpose3A = tpu.transpose %get3A_3, [1, 0] : vector<36x4096xf32> -> vector<4096x36xf32>
    %transpose3A_14 = tpu.transpose %get3A_8, [1, 0] : vector<36x4096xf32> -> vector<4096x36xf32>
    %transpose3A_15 = tpu.transpose %get3A_13, [1, 0] : vector<36x4096xf32> -> vector<4096x36xf32>
    %broadcast_in_dim3A = arith.constant 0.000000e+00 : f32
    %broadcast_in_dim3A_16 = vector.broadcast %broadcast_in_dim3A : f32 to vector<4096x20xf32>
    %concatenate3A = tpu.concatenate %transpose3A, %transpose3A_14, %transpose3A_15, %broadcast_in_dim3A_16 in 1 : vector<4096x36xf32>, vector<4096x36xf32>, vector<4096x36xf32>, vector<4096x20xf32> -> vector<4096x128xf32>
    %swap3A = arith.constant 0 : index
    %swap3A_17 = arith.constant 0 : index
    %swap3A_18 = vector.load %arg5[%swap3A, %swap3A_17] : memref<4096x128xf32, #tpu.memory_space<vmem>>, vector<4096x128xf32>
    tpu.vector_store %arg5[%swap3A, %swap3A_17], %concatenate3A {strides = array<i32>} : memref<4096x128xf32, #tpu.memory_space<vmem>>, vector<4096x128xf32>,
    return
  }
  func.func @transform_0(%arg0: i32, %arg1: i32) -> (i32, i32, i32) {
    %c0_i32 = arith.constant 0 : i32
    %c0_i32_0 = arith.constant 0 : i32
    return %arg0, %c0_i32, %arg1 : i32, i32, i32
  }
  func.func @transform_1(%arg0: i32, %arg1: i32) -> (i32, i32, i32) {
    %add3A = arith.constant 9 : i32
    %add3A_0 = arith.addi %arg1, %add3A : i32
    %c0_i32 = arith.constant 0 : i32
    %c0_i32_1 = arith.constant 0 : i32
    return %arg0, %c0_i32, %add3A_0 : i32, i32, i32
  }
  func.func @transform_2(%arg0: i32, %arg1: i32) -> (i32, i32, i32) {
    %add3A = arith.constant 18 : i32
    %add3A_0 = arith.addi %arg1, %add3A : i32
    %min3A = arith.constant 24 : i32
    %min3A_1 = arith.minsi %add3A_0, %min3A : i32
    %c0_i32 = arith.constant 0 : i32
    %c0_i32_2 = arith.constant 0 : i32
    return %arg0, %c0_i32, %min3A_1 : i32, i32, i32
  }
  func.func @transform_3(%arg0: i32, %arg1: i32) -> (i32, i32) {
    %mul3A = arith.constant 9 : i32
    %mul3A_0 = arith.muli %arg0, %mul3A : i32
    %add3A = arith.addi %mul3A_0, %arg1 : i32
    %c0_i32 = arith.constant 0 : i32
    %c0_i32_1 = arith.constant 0 : i32
    return %add3A, %c0_i32 : i32, i32
  }
}

module attributes {stable_mosaic.version = 14 : i64} {
  func.func @body(%arg0: i32, %arg1: memref<64x208x128xf32, #tpu.memory_space<vmem>>, %arg2: memref<512x26xf32, #tpu.memory_space<vmem>>, %arg3: memref<512x13xf32, #tpu.memory_space<vmem>>, %arg4: memref<13x104xf32, #tpu.memory_space<vmem>>, %arg5: memref<1x104xf32, #tpu.memory_space<vmem>>, %arg6: memref<512x1040xf32, #tpu.memory_space<vmem>>) attributes {dimension_semantics = [#tpu.dimension_semantics<arbitrary>], iteration_bounds = array<i64: 32>, scalar_prefetch = 0 : i64, scratch_operands = 0 : i64, tpu.core_type = #tpu.core_type<tc>, window_params = [{transform_indices = @transform_0, window_bounds = array<i64: 64, 208, 128>}, {transform_indices = @transform_1, window_bounds = array<i64: 512, 26>}, {transform_indices = @transform_2, window_bounds = array<i64: 512, 13>}, {pipeline_mode = #tpu.pipeline_mode<synchronous>, transform_indices = @transform_3, window_bounds = array<i64: 13, 104>}, {pipeline_mode = #tpu.pipeline_mode<synchronous>, transform_indices = @transform_4, window_bounds = array<i64: 1, 104>}, {transform_indices = @transform_5, window_bounds = array<i64: 512, 1040>}]} {
    %get3A = arith.constant 0 : index
    %get3A_0 = arith.constant 0 : index
    %get3A_1 = vector.load %arg2[%get3A, %get3A_0] : memref<512x26xf32, #tpu.memory_space<vmem>>, vector<512x26xf32>
    %get3A_2 = arith.constant 0 : index
    %get3A_3 = arith.constant 0 : index
    %get3A_4 = arith.constant 0 : index
    %get3A_5 = vector.load %arg1[%get3A_2, %get3A_3, %get3A_4] : memref<64x208x128xf32, #tpu.memory_space<vmem>>, vector<64x8x128xf32>
    %reshape3A = vector.shape_cast %get3A_5 : vector<64x8x128xf32> to vector<512x128xf32>
    %slice3A = vector.extract_strided_slice %reshape3A {offsets = [0, 0], sizes = [512, 36], strides = [1, 1]} : vector<512x128xf32> to vector<512x36xf32>
    %slice3A_6 = vector.extract_strided_slice %reshape3A {offsets = [0, 36], sizes = [512, 36], strides = [1, 1]} : vector<512x128xf32> to vector<512x36xf32>
    %slice3A_7 = vector.extract_strided_slice %reshape3A {offsets = [0, 72], sizes = [512, 36], strides = [1, 1]} : vector<512x128xf32> to vector<512x36xf32>
    %slice3A_8 = vector.extract_strided_slice %get3A_1 {offsets = [0, 0], sizes = [512, 1], strides = [1, 1]} : vector<512x26xf32> to vector<512x1xf32>
    %lt3A = arith.constant 5.000000e-01 : f32
    %lt3A_9 = vector.broadcast %lt3A : f32 to vector<512x1xf32>
    %lt3A_10 = arith.cmpf olt, %slice3A_8, %lt3A_9 : vector<512x1xf32>
    %lt3A_11 = arith.constant 1.500000e+00 : f32
    %lt3A_12 = vector.broadcast %lt3A_11 : f32 to vector<512x1xf32>
    %lt3A_13 = arith.cmpf olt, %slice3A_8, %lt3A_12 : vector<512x1xf32>
    %broadcast_in_dim3A = vector.shape_cast %lt3A_13 : vector<512x1xi1> to vector<512x1xi1>
    %broadcast_in_dim3A_14 = vector.broadcast %broadcast_in_dim3A : vector<512x1xi1> to vector<512x36xi1>
    %select_n3A = arith.select %broadcast_in_dim3A_14, %slice3A_6, %slice3A_7 : vector<512x36xi1>, vector<512x36xf32>
    %broadcast_in_dim3A_15 = vector.shape_cast %lt3A_10 : vector<512x1xi1> to vector<512x1xi1>
    %broadcast_in_dim3A_16 = vector.broadcast %broadcast_in_dim3A_15 : vector<512x1xi1> to vector<512x36xi1>
    %select_n3A_17 = arith.select %broadcast_in_dim3A_16, %slice3A, %select_n3A : vector<512x36xi1>, vector<512x36xf32>
    %get3A_18 = arith.constant 0 : index
    %get3A_19 = arith.constant 8 : index
    %get3A_20 = arith.constant 0 : index
    %get3A_21 = vector.load %arg1[%get3A_18, %get3A_19, %get3A_20] : memref<64x208x128xf32, #tpu.memory_space<vmem>>, vector<64x8x128xf32>
    %reshape3A_22 = vector.shape_cast %get3A_21 : vector<64x8x128xf32> to vector<512x128xf32>
    %slice3A_23 = vector.extract_strided_slice %reshape3A_22 {offsets = [0, 0], sizes = [512, 36], strides = [1, 1]} : vector<512x128xf32> to vector<512x36xf32>
    %slice3A_24 = vector.extract_strided_slice %reshape3A_22 {offsets = [0, 36], sizes = [512, 36], strides = [1, 1]} : vector<512x128xf32> to vector<512x36xf32>
    %slice3A_25 = vector.extract_strided_slice %reshape3A_22 {offsets = [0, 72], sizes = [512, 36], strides = [1, 1]} : vector<512x128xf32> to vector<512x36xf32>
    %slice3A_26 = vector.extract_strided_slice %get3A_1 {offsets = [0, 1], sizes = [512, 1], strides = [1, 1]} : vector<512x26xf32> to vector<512x1xf32>
    %lt3A_27 = arith.constant 5.000000e-01 : f32
    %lt3A_28 = vector.broadcast %lt3A_27 : f32 to vector<512x1xf32>
    %lt3A_29 = arith.cmpf olt, %slice3A_26, %lt3A_28 : vector<512x1xf32>
    %lt3A_30 = arith.constant 1.500000e+00 : f32
    %lt3A_31 = vector.broadcast %lt3A_30 : f32 to vector<512x1xf32>
    %lt3A_32 = arith.cmpf olt, %slice3A_26, %lt3A_31 : vector<512x1xf32>
    %broadcast_in_dim3A_33 = vector.shape_cast %lt3A_32 : vector<512x1xi1> to vector<512x1xi1>
    %broadcast_in_dim3A_34 = vector.broadcast %broadcast_in_dim3A_33 : vector<512x1xi1> to vector<512x36xi1>
    %select_n3A_35 = arith.select %broadcast_in_dim3A_34, %slice3A_24, %slice3A_25 : vector<512x36xi1>, vector<512x36xf32>
    %broadcast_in_dim3A_36 = vector.shape_cast %lt3A_29 : vector<512x1xi1> to vector<512x1xi1>
    %broadcast_in_dim3A_37 = vector.broadcast %broadcast_in_dim3A_36 : vector<512x1xi1> to vector<512x36xi1>
    %select_n3A_38 = arith.select %broadcast_in_dim3A_37, %slice3A_23, %select_n3A_35 : vector<512x36xi1>, vector<512x36xf32>
    %get3A_39 = arith.constant 0 : index
    %get3A_40 = arith.constant 16 : index
    %get3A_41 = arith.constant 0 : index
    %get3A_42 = vector.load %arg1[%get3A_39, %get3A_40, %get3A_41] : memref<64x208x128xf32, #tpu.memory_space<vmem>>, vector<64x8x128xf32>
    %reshape3A_43 = vector.shape_cast %get3A_42 : vector<64x8x128xf32> to vector<512x128xf32>
    %slice3A_44 = vector.extract_strided_slice %reshape3A_43 {offsets = [0, 0], sizes = [512, 36], strides = [1, 1]} : vector<512x128xf32> to vector<512x36xf32>
    %slice3A_45 = vector.extract_strided_slice %reshape3A_43 {offsets = [0, 36], sizes = [512, 36], strides = [1, 1]} : vector<512x128xf32> to vector<512x36xf32>
    %slice3A_46 = vector.extract_strided_slice %reshape3A_43 {offsets = [0, 72], sizes = [512, 36], strides = [1, 1]} : vector<512x128xf32> to vector<512x36xf32>
    %slice3A_47 = vector.extract_strided_slice %get3A_1 {offsets = [0, 2], sizes = [512, 1], strides = [1, 1]} : vector<512x26xf32> to vector<512x1xf32>
    %lt3A_48 = arith.constant 5.000000e-01 : f32
    %lt3A_49 = vector.broadcast %lt3A_48 : f32 to vector<512x1xf32>
    %lt3A_50 = arith.cmpf olt, %slice3A_47, %lt3A_49 : vector<512x1xf32>
    %lt3A_51 = arith.constant 1.500000e+00 : f32
    %lt3A_52 = vector.broadcast %lt3A_51 : f32 to vector<512x1xf32>
    %lt3A_53 = arith.cmpf olt, %slice3A_47, %lt3A_52 : vector<512x1xf32>
    %broadcast_in_dim3A_54 = vector.shape_cast %lt3A_53 : vector<512x1xi1> to vector<512x1xi1>
    %broadcast_in_dim3A_55 = vector.broadcast %broadcast_in_dim3A_54 : vector<512x1xi1> to vector<512x36xi1>
    %select_n3A_56 = arith.select %broadcast_in_dim3A_55, %slice3A_45, %slice3A_46 : vector<512x36xi1>, vector<512x36xf32>
    %broadcast_in_dim3A_57 = vector.shape_cast %lt3A_50 : vector<512x1xi1> to vector<512x1xi1>
    %broadcast_in_dim3A_58 = vector.broadcast %broadcast_in_dim3A_57 : vector<512x1xi1> to vector<512x36xi1>
    %select_n3A_59 = arith.select %broadcast_in_dim3A_58, %slice3A_44, %select_n3A_56 : vector<512x36xi1>, vector<512x36xf32>
    %get3A_60 = arith.constant 0 : index
    %get3A_61 = arith.constant 24 : index
    %get3A_62 = arith.constant 0 : index
    %get3A_63 = vector.load %arg1[%get3A_60, %get3A_61, %get3A_62] : memref<64x208x128xf32, #tpu.memory_space<vmem>>, vector<64x8x128xf32>
    %reshape3A_64 = vector.shape_cast %get3A_63 : vector<64x8x128xf32> to vector<512x128xf32>
    %slice3A_65 = vector.extract_strided_slice %reshape3A_64 {offsets = [0, 0], sizes = [512, 36], strides = [1, 1]} : vector<512x128xf32> to vector<512x36xf32>
    %slice3A_66 = vector.extract_strided_slice %reshape3A_64 {offsets = [0, 36], sizes = [512, 36], strides = [1, 1]} : vector<512x128xf32> to vector<512x36xf32>
    %slice3A_67 = vector.extract_strided_slice %reshape3A_64 {offsets = [0, 72], sizes = [512, 36], strides = [1, 1]} : vector<512x128xf32> to vector<512x36xf32>
    %slice3A_68 = vector.extract_strided_slice %get3A_1 {offsets = [0, 3], sizes = [512, 1], strides = [1, 1]} : vector<512x26xf32> to vector<512x1xf32>
    %lt3A_69 = arith.constant 5.000000e-01 : f32
    %lt3A_70 = vector.broadcast %lt3A_69 : f32 to vector<512x1xf32>
    %lt3A_71 = arith.cmpf olt, %slice3A_68, %lt3A_70 : vector<512x1xf32>
    %lt3A_72 = arith.constant 1.500000e+00 : f32
    %lt3A_73 = vector.broadcast %lt3A_72 : f32 to vector<512x1xf32>
    %lt3A_74 = arith.cmpf olt, %slice3A_68, %lt3A_73 : vector<512x1xf32>
    %broadcast_in_dim3A_75 = vector.shape_cast %lt3A_74 : vector<512x1xi1> to vector<512x1xi1>
    %broadcast_in_dim3A_76 = vector.broadcast %broadcast_in_dim3A_75 : vector<512x1xi1> to vector<512x36xi1>
    %select_n3A_77 = arith.select %broadcast_in_dim3A_76, %slice3A_66, %slice3A_67 : vector<512x36xi1>, vector<512x36xf32>
    %broadcast_in_dim3A_78 = vector.shape_cast %lt3A_71 : vector<512x1xi1> to vector<512x1xi1>
    %broadcast_in_dim3A_79 = vector.broadcast %broadcast_in_dim3A_78 : vector<512x1xi1> to vector<512x36xi1>
    %select_n3A_80 = arith.select %broadcast_in_dim3A_79, %slice3A_65, %select_n3A_77 : vector<512x36xi1>, vector<512x36xf32>
    %get3A_81 = arith.constant 0 : index
    %get3A_82 = arith.constant 32 : index
    %get3A_83 = arith.constant 0 : index
    %get3A_84 = vector.load %arg1[%get3A_81, %get3A_82, %get3A_83] : memref<64x208x128xf32, #tpu.memory_space<vmem>>, vector<64x8x128xf32>
    %reshape3A_85 = vector.shape_cast %get3A_84 : vector<64x8x128xf32> to vector<512x128xf32>
    %slice3A_86 = vector.extract_strided_slice %reshape3A_85 {offsets = [0, 0], sizes = [512, 36], strides = [1, 1]} : vector<512x128xf32> to vector<512x36xf32>
    %slice3A_87 = vector.extract_strided_slice %reshape3A_85 {offsets = [0, 36], sizes = [512, 36], strides = [1, 1]} : vector<512x128xf32> to vector<512x36xf32>
    %slice3A_88 = vector.extract_strided_slice %reshape3A_85 {offsets = [0, 72], sizes = [512, 36], strides = [1, 1]} : vector<512x128xf32> to vector<512x36xf32>
    %slice3A_89 = vector.extract_strided_slice %get3A_1 {offsets = [0, 4], sizes = [512, 1], strides = [1, 1]} : vector<512x26xf32> to vector<512x1xf32>
    %lt3A_90 = arith.constant 5.000000e-01 : f32
    %lt3A_91 = vector.broadcast %lt3A_90 : f32 to vector<512x1xf32>
    %lt3A_92 = arith.cmpf olt, %slice3A_89, %lt3A_91 : vector<512x1xf32>
    %lt3A_93 = arith.constant 1.500000e+00 : f32
    %lt3A_94 = vector.broadcast %lt3A_93 : f32 to vector<512x1xf32>
    %lt3A_95 = arith.cmpf olt, %slice3A_89, %lt3A_94 : vector<512x1xf32>
    %broadcast_in_dim3A_96 = vector.shape_cast %lt3A_95 : vector<512x1xi1> to vector<512x1xi1>
    %broadcast_in_dim3A_97 = vector.broadcast %broadcast_in_dim3A_96 : vector<512x1xi1> to vector<512x36xi1>
    %select_n3A_98 = arith.select %broadcast_in_dim3A_97, %slice3A_87, %slice3A_88 : vector<512x36xi1>, vector<512x36xf32>
    %broadcast_in_dim3A_99 = vector.shape_cast %lt3A_92 : vector<512x1xi1> to vector<512x1xi1>
    %broadcast_in_dim3A_100 = vector.broadcast %broadcast_in_dim3A_99 : vector<512x1xi1> to vector<512x36xi1>
    %select_n3A_101 = arith.select %broadcast_in_dim3A_100, %slice3A_86, %select_n3A_98 : vector<512x36xi1>, vector<512x36xf32>
    %get3A_102 = arith.constant 0 : index
    %get3A_103 = arith.constant 40 : index
    %get3A_104 = arith.constant 0 : index
    %get3A_105 = vector.load %arg1[%get3A_102, %get3A_103, %get3A_104] : memref<64x208x128xf32, #tpu.memory_space<vmem>>, vector<64x8x128xf32>
    %reshape3A_106 = vector.shape_cast %get3A_105 : vector<64x8x128xf32> to vector<512x128xf32>
    %slice3A_107 = vector.extract_strided_slice %reshape3A_106 {offsets = [0, 0], sizes = [512, 36], strides = [1, 1]} : vector<512x128xf32> to vector<512x36xf32>
    %slice3A_108 = vector.extract_strided_slice %reshape3A_106 {offsets = [0, 36], sizes = [512, 36], strides = [1, 1]} : vector<512x128xf32> to vector<512x36xf32>
    %slice3A_109 = vector.extract_strided_slice %reshape3A_106 {offsets = [0, 72], sizes = [512, 36], strides = [1, 1]} : vector<512x128xf32> to vector<512x36xf32>
    %slice3A_110 = vector.extract_strided_slice %get3A_1 {offsets = [0, 5], sizes = [512, 1], strides = [1, 1]} : vector<512x26xf32> to vector<512x1xf32>
    %lt3A_111 = arith.constant 5.000000e-01 : f32
    %lt3A_112 = vector.broadcast %lt3A_111 : f32 to vector<512x1xf32>
    %lt3A_113 = arith.cmpf olt, %slice3A_110, %lt3A_112 : vector<512x1xf32>
    %lt3A_114 = arith.constant 1.500000e+00 : f32
    %lt3A_115 = vector.broadcast %lt3A_114 : f32 to vector<512x1xf32>
    %lt3A_116 = arith.cmpf olt, %slice3A_110, %lt3A_115 : vector<512x1xf32>
    %broadcast_in_dim3A_117 = vector.shape_cast %lt3A_116 : vector<512x1xi1> to vector<512x1xi1>
    %broadcast_in_dim3A_118 = vector.broadcast %broadcast_in_dim3A_117 : vector<512x1xi1> to vector<512x36xi1>
    %select_n3A_119 = arith.select %broadcast_in_dim3A_118, %slice3A_108, %slice3A_109 : vector<512x36xi1>, vector<512x36xf32>
    %broadcast_in_dim3A_120 = vector.shape_cast %lt3A_113 : vector<512x1xi1> to vector<512x1xi1>
    %broadcast_in_dim3A_121 = vector.broadcast %broadcast_in_dim3A_120 : vector<512x1xi1> to vector<512x36xi1>
    %select_n3A_122 = arith.select %broadcast_in_dim3A_121, %slice3A_107, %select_n3A_119 : vector<512x36xi1>, vector<512x36xf32>
    %get3A_123 = arith.constant 0 : index
    %get3A_124 = arith.constant 48 : index
    %get3A_125 = arith.constant 0 : index
    %get3A_126 = vector.load %arg1[%get3A_123, %get3A_124, %get3A_125] : memref<64x208x128xf32, #tpu.memory_space<vmem>>, vector<64x8x128xf32>
    %reshape3A_127 = vector.shape_cast %get3A_126 : vector<64x8x128xf32> to vector<512x128xf32>
    %slice3A_128 = vector.extract_strided_slice %reshape3A_127 {offsets = [0, 0], sizes = [512, 36], strides = [1, 1]} : vector<512x128xf32> to vector<512x36xf32>
    %slice3A_129 = vector.extract_strided_slice %reshape3A_127 {offsets = [0, 36], sizes = [512, 36], strides = [1, 1]} : vector<512x128xf32> to vector<512x36xf32>
    %slice3A_130 = vector.extract_strided_slice %reshape3A_127 {offsets = [0, 72], sizes = [512, 36], strides = [1, 1]} : vector<512x128xf32> to vector<512x36xf32>
    %slice3A_131 = vector.extract_strided_slice %get3A_1 {offsets = [0, 6], sizes = [512, 1], strides = [1, 1]} : vector<512x26xf32> to vector<512x1xf32>
    %lt3A_132 = arith.constant 5.000000e-01 : f32
    %lt3A_133 = vector.broadcast %lt3A_132 : f32 to vector<512x1xf32>
    %lt3A_134 = arith.cmpf olt, %slice3A_131, %lt3A_133 : vector<512x1xf32>
    %lt3A_135 = arith.constant 1.500000e+00 : f32
    %lt3A_136 = vector.broadcast %lt3A_135 : f32 to vector<512x1xf32>
    %lt3A_137 = arith.cmpf olt, %slice3A_131, %lt3A_136 : vector<512x1xf32>
    %broadcast_in_dim3A_138 = vector.shape_cast %lt3A_137 : vector<512x1xi1> to vector<512x1xi1>
    %broadcast_in_dim3A_139 = vector.broadcast %broadcast_in_dim3A_138 : vector<512x1xi1> to vector<512x36xi1>
    %select_n3A_140 = arith.select %broadcast_in_dim3A_139, %slice3A_129, %slice3A_130 : vector<512x36xi1>, vector<512x36xf32>
    %broadcast_in_dim3A_141 = vector.shape_cast %lt3A_134 : vector<512x1xi1> to vector<512x1xi1>
    %broadcast_in_dim3A_142 = vector.broadcast %broadcast_in_dim3A_141 : vector<512x1xi1> to vector<512x36xi1>
    %select_n3A_143 = arith.select %broadcast_in_dim3A_142, %slice3A_128, %select_n3A_140 : vector<512x36xi1>, vector<512x36xf32>
    %get3A_144 = arith.constant 0 : index
    %get3A_145 = arith.constant 56 : index
    %get3A_146 = arith.constant 0 : index
    %get3A_147 = vector.load %arg1[%get3A_144, %get3A_145, %get3A_146] : memref<64x208x128xf32, #tpu.memory_space<vmem>>, vector<64x8x128xf32>
    %reshape3A_148 = vector.shape_cast %get3A_147 : vector<64x8x128xf32> to vector<512x128xf32>
    %slice3A_149 = vector.extract_strided_slice %reshape3A_148 {offsets = [0, 0], sizes = [512, 36], strides = [1, 1]} : vector<512x128xf32> to vector<512x36xf32>
    %slice3A_150 = vector.extract_strided_slice %reshape3A_148 {offsets = [0, 36], sizes = [512, 36], strides = [1, 1]} : vector<512x128xf32> to vector<512x36xf32>
    %slice3A_151 = vector.extract_strided_slice %reshape3A_148 {offsets = [0, 72], sizes = [512, 36], strides = [1, 1]} : vector<512x128xf32> to vector<512x36xf32>
    %slice3A_152 = vector.extract_strided_slice %get3A_1 {offsets = [0, 7], sizes = [512, 1], strides = [1, 1]} : vector<512x26xf32> to vector<512x1xf32>
    %lt3A_153 = arith.constant 5.000000e-01 : f32
    %lt3A_154 = vector.broadcast %lt3A_153 : f32 to vector<512x1xf32>
    %lt3A_155 = arith.cmpf olt, %slice3A_152, %lt3A_154 : vector<512x1xf32>
    %lt3A_156 = arith.constant 1.500000e+00 : f32
    %lt3A_157 = vector.broadcast %lt3A_156 : f32 to vector<512x1xf32>
    %lt3A_158 = arith.cmpf olt, %slice3A_152, %lt3A_157 : vector<512x1xf32>
    %broadcast_in_dim3A_159 = vector.shape_cast %lt3A_158 : vector<512x1xi1> to vector<512x1xi1>
    %broadcast_in_dim3A_160 = vector.broadcast %broadcast_in_dim3A_159 : vector<512x1xi1> to vector<512x36xi1>
    %select_n3A_161 = arith.select %broadcast_in_dim3A_160, %slice3A_150, %slice3A_151 : vector<512x36xi1>, vector<512x36xf32>
    %broadcast_in_dim3A_162 = vector.shape_cast %lt3A_155 : vector<512x1xi1> to vector<512x1xi1>
    %broadcast_in_dim3A_163 = vector.broadcast %broadcast_in_dim3A_162 : vector<512x1xi1> to vector<512x36xi1>
    %select_n3A_164 = arith.select %broadcast_in_dim3A_163, %slice3A_149, %select_n3A_161 : vector<512x36xi1>, vector<512x36xf32>
    %get3A_165 = arith.constant 0 : index
    %get3A_166 = arith.constant 64 : index
    %get3A_167 = arith.constant 0 : index
    %get3A_168 = vector.load %arg1[%get3A_165, %get3A_166, %get3A_167] : memref<64x208x128xf32, #tpu.memory_space<vmem>>, vector<64x8x128xf32>
    %reshape3A_169 = vector.shape_cast %get3A_168 : vector<64x8x128xf32> to vector<512x128xf32>
    %slice3A_170 = vector.extract_strided_slice %reshape3A_169 {offsets = [0, 0], sizes = [512, 36], strides = [1, 1]} : vector<512x128xf32> to vector<512x36xf32>
    %slice3A_171 = vector.extract_strided_slice %reshape3A_169 {offsets = [0, 36], sizes = [512, 36], strides = [1, 1]} : vector<512x128xf32> to vector<512x36xf32>
    %slice3A_172 = vector.extract_strided_slice %reshape3A_169 {offsets = [0, 72], sizes = [512, 36], strides = [1, 1]} : vector<512x128xf32> to vector<512x36xf32>
    %slice3A_173 = vector.extract_strided_slice %get3A_1 {offsets = [0, 8], sizes = [512, 1], strides = [1, 1]} : vector<512x26xf32> to vector<512x1xf32>
    %lt3A_174 = arith.constant 5.000000e-01 : f32
    %lt3A_175 = vector.broadcast %lt3A_174 : f32 to vector<512x1xf32>
    %lt3A_176 = arith.cmpf olt, %slice3A_173, %lt3A_175 : vector<512x1xf32>
    %lt3A_177 = arith.constant 1.500000e+00 : f32
    %lt3A_178 = vector.broadcast %lt3A_177 : f32 to vector<512x1xf32>
    %lt3A_179 = arith.cmpf olt, %slice3A_173, %lt3A_178 : vector<512x1xf32>
    %broadcast_in_dim3A_180 = vector.shape_cast %lt3A_179 : vector<512x1xi1> to vector<512x1xi1>
    %broadcast_in_dim3A_181 = vector.broadcast %broadcast_in_dim3A_180 : vector<512x1xi1> to vector<512x36xi1>
    %select_n3A_182 = arith.select %broadcast_in_dim3A_181, %slice3A_171, %slice3A_172 : vector<512x36xi1>, vector<512x36xf32>
    %broadcast_in_dim3A_183 = vector.shape_cast %lt3A_176 : vector<512x1xi1> to vector<512x1xi1>
    %broadcast_in_dim3A_184 = vector.broadcast %broadcast_in_dim3A_183 : vector<512x1xi1> to vector<512x36xi1>
    %select_n3A_185 = arith.select %broadcast_in_dim3A_184, %slice3A_170, %select_n3A_182 : vector<512x36xi1>, vector<512x36xf32>
    %get3A_186 = arith.constant 0 : index
    %get3A_187 = arith.constant 72 : index
    %get3A_188 = arith.constant 0 : index
    %get3A_189 = vector.load %arg1[%get3A_186, %get3A_187, %get3A_188] : memref<64x208x128xf32, #tpu.memory_space<vmem>>, vector<64x8x128xf32>
    %reshape3A_190 = vector.shape_cast %get3A_189 : vector<64x8x128xf32> to vector<512x128xf32>
    %slice3A_191 = vector.extract_strided_slice %reshape3A_190 {offsets = [0, 0], sizes = [512, 36], strides = [1, 1]} : vector<512x128xf32> to vector<512x36xf32>
    %slice3A_192 = vector.extract_strided_slice %reshape3A_190 {offsets = [0, 36], sizes = [512, 36], strides = [1, 1]} : vector<512x128xf32> to vector<512x36xf32>
    %slice3A_193 = vector.extract_strided_slice %reshape3A_190 {offsets = [0, 72], sizes = [512, 36], strides = [1, 1]} : vector<512x128xf32> to vector<512x36xf32>
    %slice3A_194 = vector.extract_strided_slice %get3A_1 {offsets = [0, 9], sizes = [512, 1], strides = [1, 1]} : vector<512x26xf32> to vector<512x1xf32>
    %lt3A_195 = arith.constant 5.000000e-01 : f32
    %lt3A_196 = vector.broadcast %lt3A_195 : f32 to vector<512x1xf32>
    %lt3A_197 = arith.cmpf olt, %slice3A_194, %lt3A_196 : vector<512x1xf32>
    %lt3A_198 = arith.constant 1.500000e+00 : f32
    %lt3A_199 = vector.broadcast %lt3A_198 : f32 to vector<512x1xf32>
    %lt3A_200 = arith.cmpf olt, %slice3A_194, %lt3A_199 : vector<512x1xf32>
    %broadcast_in_dim3A_201 = vector.shape_cast %lt3A_200 : vector<512x1xi1> to vector<512x1xi1>
    %broadcast_in_dim3A_202 = vector.broadcast %broadcast_in_dim3A_201 : vector<512x1xi1> to vector<512x36xi1>
    %select_n3A_203 = arith.select %broadcast_in_dim3A_202, %slice3A_192, %slice3A_193 : vector<512x36xi1>, vector<512x36xf32>
    %broadcast_in_dim3A_204 = vector.shape_cast %lt3A_197 : vector<512x1xi1> to vector<512x1xi1>
    %broadcast_in_dim3A_205 = vector.broadcast %broadcast_in_dim3A_204 : vector<512x1xi1> to vector<512x36xi1>
    %select_n3A_206 = arith.select %broadcast_in_dim3A_205, %slice3A_191, %select_n3A_203 : vector<512x36xi1>, vector<512x36xf32>
    %get3A_207 = arith.constant 0 : index
    %get3A_208 = arith.constant 80 : index
    %get3A_209 = arith.constant 0 : index
    %get3A_210 = vector.load %arg1[%get3A_207, %get3A_208, %get3A_209] : memref<64x208x128xf32, #tpu.memory_space<vmem>>, vector<64x8x128xf32>
    %reshape3A_211 = vector.shape_cast %get3A_210 : vector<64x8x128xf32> to vector<512x128xf32>
    %slice3A_212 = vector.extract_strided_slice %reshape3A_211 {offsets = [0, 0], sizes = [512, 36], strides = [1, 1]} : vector<512x128xf32> to vector<512x36xf32>
    %slice3A_213 = vector.extract_strided_slice %reshape3A_211 {offsets = [0, 36], sizes = [512, 36], strides = [1, 1]} : vector<512x128xf32> to vector<512x36xf32>
    %slice3A_214 = vector.extract_strided_slice %reshape3A_211 {offsets = [0, 72], sizes = [512, 36], strides = [1, 1]} : vector<512x128xf32> to vector<512x36xf32>
    %slice3A_215 = vector.extract_strided_slice %get3A_1 {offsets = [0, 10], sizes = [512, 1], strides = [1, 1]} : vector<512x26xf32> to vector<512x1xf32>
    %lt3A_216 = arith.constant 5.000000e-01 : f32
    %lt3A_217 = vector.broadcast %lt3A_216 : f32 to vector<512x1xf32>
    %lt3A_218 = arith.cmpf olt, %slice3A_215, %lt3A_217 : vector<512x1xf32>
    %lt3A_219 = arith.constant 1.500000e+00 : f32
    %lt3A_220 = vector.broadcast %lt3A_219 : f32 to vector<512x1xf32>
    %lt3A_221 = arith.cmpf olt, %slice3A_215, %lt3A_220 : vector<512x1xf32>
    %broadcast_in_dim3A_222 = vector.shape_cast %lt3A_221 : vector<512x1xi1> to vector<512x1xi1>
    %broadcast_in_dim3A_223 = vector.broadcast %broadcast_in_dim3A_222 : vector<512x1xi1> to vector<512x36xi1>
    %select_n3A_224 = arith.select %broadcast_in_dim3A_223, %slice3A_213, %slice3A_214 : vector<512x36xi1>, vector<512x36xf32>
    %broadcast_in_dim3A_225 = vector.shape_cast %lt3A_218 : vector<512x1xi1> to vector<512x1xi1>
    %broadcast_in_dim3A_226 = vector.broadcast %broadcast_in_dim3A_225 : vector<512x1xi1> to vector<512x36xi1>
    %select_n3A_227 = arith.select %broadcast_in_dim3A_226, %slice3A_212, %select_n3A_224 : vector<512x36xi1>, vector<512x36xf32>
    %get3A_228 = arith.constant 0 : index
    %get3A_229 = arith.constant 88 : index
    %get3A_230 = arith.constant 0 : index
    %get3A_231 = vector.load %arg1[%get3A_228, %get3A_229, %get3A_230] : memref<64x208x128xf32, #tpu.memory_space<vmem>>, vector<64x8x128xf32>
    %reshape3A_232 = vector.shape_cast %get3A_231 : vector<64x8x128xf32> to vector<512x128xf32>
    %slice3A_233 = vector.extract_strided_slice %reshape3A_232 {offsets = [0, 0], sizes = [512, 36], strides = [1, 1]} : vector<512x128xf32> to vector<512x36xf32>
    %slice3A_234 = vector.extract_strided_slice %reshape3A_232 {offsets = [0, 36], sizes = [512, 36], strides = [1, 1]} : vector<512x128xf32> to vector<512x36xf32>
    %slice3A_235 = vector.extract_strided_slice %reshape3A_232 {offsets = [0, 72], sizes = [512, 36], strides = [1, 1]} : vector<512x128xf32> to vector<512x36xf32>
    %slice3A_236 = vector.extract_strided_slice %get3A_1 {offsets = [0, 11], sizes = [512, 1], strides = [1, 1]} : vector<512x26xf32> to vector<512x1xf32>
    %lt3A_237 = arith.constant 5.000000e-01 : f32
    %lt3A_238 = vector.broadcast %lt3A_237 : f32 to vector<512x1xf32>
    %lt3A_239 = arith.cmpf olt, %slice3A_236, %lt3A_238 : vector<512x1xf32>
    %lt3A_240 = arith.constant 1.500000e+00 : f32
    %lt3A_241 = vector.broadcast %lt3A_240 : f32 to vector<512x1xf32>
    %lt3A_242 = arith.cmpf olt, %slice3A_236, %lt3A_241 : vector<512x1xf32>
    %broadcast_in_dim3A_243 = vector.shape_cast %lt3A_242 : vector<512x1xi1> to vector<512x1xi1>
    %broadcast_in_dim3A_244 = vector.broadcast %broadcast_in_dim3A_243 : vector<512x1xi1> to vector<512x36xi1>
    %select_n3A_245 = arith.select %broadcast_in_dim3A_244, %slice3A_234, %slice3A_235 : vector<512x36xi1>, vector<512x36xf32>
    %broadcast_in_dim3A_246 = vector.shape_cast %lt3A_239 : vector<512x1xi1> to vector<512x1xi1>
    %broadcast_in_dim3A_247 = vector.broadcast %broadcast_in_dim3A_246 : vector<512x1xi1> to vector<512x36xi1>
    %select_n3A_248 = arith.select %broadcast_in_dim3A_247, %slice3A_233, %select_n3A_245 : vector<512x36xi1>, vector<512x36xf32>
    %get3A_249 = arith.constant 0 : index
    %get3A_250 = arith.constant 96 : index
    %get3A_251 = arith.constant 0 : index
    %get3A_252 = vector.load %arg1[%get3A_249, %get3A_250, %get3A_251] : memref<64x208x128xf32, #tpu.memory_space<vmem>>, vector<64x8x128xf32>
    %reshape3A_253 = vector.shape_cast %get3A_252 : vector<64x8x128xf32> to vector<512x128xf32>
    %slice3A_254 = vector.extract_strided_slice %reshape3A_253 {offsets = [0, 0], sizes = [512, 36], strides = [1, 1]} : vector<512x128xf32> to vector<512x36xf32>
    %slice3A_255 = vector.extract_strided_slice %reshape3A_253 {offsets = [0, 36], sizes = [512, 36], strides = [1, 1]} : vector<512x128xf32> to vector<512x36xf32>
    %slice3A_256 = vector.extract_strided_slice %reshape3A_253 {offsets = [0, 72], sizes = [512, 36], strides = [1, 1]} : vector<512x128xf32> to vector<512x36xf32>
    %slice3A_257 = vector.extract_strided_slice %get3A_1 {offsets = [0, 12], sizes = [512, 1], strides = [1, 1]} : vector<512x26xf32> to vector<512x1xf32>
    %lt3A_258 = arith.constant 5.000000e-01 : f32
    %lt3A_259 = vector.broadcast %lt3A_258 : f32 to vector<512x1xf32>
    %lt3A_260 = arith.cmpf olt, %slice3A_257, %lt3A_259 : vector<512x1xf32>
    %lt3A_261 = arith.constant 1.500000e+00 : f32
    %lt3A_262 = vector.broadcast %lt3A_261 : f32 to vector<512x1xf32>
    %lt3A_263 = arith.cmpf olt, %slice3A_257, %lt3A_262 : vector<512x1xf32>
    %broadcast_in_dim3A_264 = vector.shape_cast %lt3A_263 : vector<512x1xi1> to vector<512x1xi1>
    %broadcast_in_dim3A_265 = vector.broadcast %broadcast_in_dim3A_264 : vector<512x1xi1> to vector<512x36xi1>
    %select_n3A_266 = arith.select %broadcast_in_dim3A_265, %slice3A_255, %slice3A_256 : vector<512x36xi1>, vector<512x36xf32>
    %broadcast_in_dim3A_267 = vector.shape_cast %lt3A_260 : vector<512x1xi1> to vector<512x1xi1>
    %broadcast_in_dim3A_268 = vector.broadcast %broadcast_in_dim3A_267 : vector<512x1xi1> to vector<512x36xi1>
    %select_n3A_269 = arith.select %broadcast_in_dim3A_268, %slice3A_254, %select_n3A_266 : vector<512x36xi1>, vector<512x36xf32>
    %get3A_270 = arith.constant 0 : index
    %get3A_271 = arith.constant 104 : index
    %get3A_272 = arith.constant 0 : index
    %get3A_273 = vector.load %arg1[%get3A_270, %get3A_271, %get3A_272] : memref<64x208x128xf32, #tpu.memory_space<vmem>>, vector<64x8x128xf32>
    %reshape3A_274 = vector.shape_cast %get3A_273 : vector<64x8x128xf32> to vector<512x128xf32>
    %slice3A_275 = vector.extract_strided_slice %reshape3A_274 {offsets = [0, 0], sizes = [512, 36], strides = [1, 1]} : vector<512x128xf32> to vector<512x36xf32>
    %slice3A_276 = vector.extract_strided_slice %reshape3A_274 {offsets = [0, 36], sizes = [512, 36], strides = [1, 1]} : vector<512x128xf32> to vector<512x36xf32>
    %slice3A_277 = vector.extract_strided_slice %reshape3A_274 {offsets = [0, 72], sizes = [512, 36], strides = [1, 1]} : vector<512x128xf32> to vector<512x36xf32>
    %slice3A_278 = vector.extract_strided_slice %get3A_1 {offsets = [0, 13], sizes = [512, 1], strides = [1, 1]} : vector<512x26xf32> to vector<512x1xf32>
    %lt3A_279 = arith.constant 5.000000e-01 : f32
    %lt3A_280 = vector.broadcast %lt3A_279 : f32 to vector<512x1xf32>
    %lt3A_281 = arith.cmpf olt, %slice3A_278, %lt3A_280 : vector<512x1xf32>
    %lt3A_282 = arith.constant 1.500000e+00 : f32
    %lt3A_283 = vector.broadcast %lt3A_282 : f32 to vector<512x1xf32>
    %lt3A_284 = arith.cmpf olt, %slice3A_278, %lt3A_283 : vector<512x1xf32>
    %broadcast_in_dim3A_285 = vector.shape_cast %lt3A_284 : vector<512x1xi1> to vector<512x1xi1>
    %broadcast_in_dim3A_286 = vector.broadcast %broadcast_in_dim3A_285 : vector<512x1xi1> to vector<512x36xi1>
    %select_n3A_287 = arith.select %broadcast_in_dim3A_286, %slice3A_276, %slice3A_277 : vector<512x36xi1>, vector<512x36xf32>
    %broadcast_in_dim3A_288 = vector.shape_cast %lt3A_281 : vector<512x1xi1> to vector<512x1xi1>
    %broadcast_in_dim3A_289 = vector.broadcast %broadcast_in_dim3A_288 : vector<512x1xi1> to vector<512x36xi1>
    %select_n3A_290 = arith.select %broadcast_in_dim3A_289, %slice3A_275, %select_n3A_287 : vector<512x36xi1>, vector<512x36xf32>
    %get3A_291 = arith.constant 0 : index
    %get3A_292 = arith.constant 112 : index
    %get3A_293 = arith.constant 0 : index
    %get3A_294 = vector.load %arg1[%get3A_291, %get3A_292, %get3A_293] : memref<64x208x128xf32, #tpu.memory_space<vmem>>, vector<64x8x128xf32>
    %reshape3A_295 = vector.shape_cast %get3A_294 : vector<64x8x128xf32> to vector<512x128xf32>
    %slice3A_296 = vector.extract_strided_slice %reshape3A_295 {offsets = [0, 0], sizes = [512, 36], strides = [1, 1]} : vector<512x128xf32> to vector<512x36xf32>
    %slice3A_297 = vector.extract_strided_slice %reshape3A_295 {offsets = [0, 36], sizes = [512, 36], strides = [1, 1]} : vector<512x128xf32> to vector<512x36xf32>
    %slice3A_298 = vector.extract_strided_slice %reshape3A_295 {offsets = [0, 72], sizes = [512, 36], strides = [1, 1]} : vector<512x128xf32> to vector<512x36xf32>
    %slice3A_299 = vector.extract_strided_slice %get3A_1 {offsets = [0, 14], sizes = [512, 1], strides = [1, 1]} : vector<512x26xf32> to vector<512x1xf32>
    %lt3A_300 = arith.constant 5.000000e-01 : f32
    %lt3A_301 = vector.broadcast %lt3A_300 : f32 to vector<512x1xf32>
    %lt3A_302 = arith.cmpf olt, %slice3A_299, %lt3A_301 : vector<512x1xf32>
    %lt3A_303 = arith.constant 1.500000e+00 : f32
    %lt3A_304 = vector.broadcast %lt3A_303 : f32 to vector<512x1xf32>
    %lt3A_305 = arith.cmpf olt, %slice3A_299, %lt3A_304 : vector<512x1xf32>
    %broadcast_in_dim3A_306 = vector.shape_cast %lt3A_305 : vector<512x1xi1> to vector<512x1xi1>
    %broadcast_in_dim3A_307 = vector.broadcast %broadcast_in_dim3A_306 : vector<512x1xi1> to vector<512x36xi1>
    %select_n3A_308 = arith.select %broadcast_in_dim3A_307, %slice3A_297, %slice3A_298 : vector<512x36xi1>, vector<512x36xf32>
    %broadcast_in_dim3A_309 = vector.shape_cast %lt3A_302 : vector<512x1xi1> to vector<512x1xi1>
    %broadcast_in_dim3A_310 = vector.broadcast %broadcast_in_dim3A_309 : vector<512x1xi1> to vector<512x36xi1>
    %select_n3A_311 = arith.select %broadcast_in_dim3A_310, %slice3A_296, %select_n3A_308 : vector<512x36xi1>, vector<512x36xf32>
    %get3A_312 = arith.constant 0 : index
    %get3A_313 = arith.constant 120 : index
    %get3A_314 = arith.constant 0 : index
    %get3A_315 = vector.load %arg1[%get3A_312, %get3A_313, %get3A_314] : memref<64x208x128xf32, #tpu.memory_space<vmem>>, vector<64x8x128xf32>
    %reshape3A_316 = vector.shape_cast %get3A_315 : vector<64x8x128xf32> to vector<512x128xf32>
    %slice3A_317 = vector.extract_strided_slice %reshape3A_316 {offsets = [0, 0], sizes = [512, 36], strides = [1, 1]} : vector<512x128xf32> to vector<512x36xf32>
    %slice3A_318 = vector.extract_strided_slice %reshape3A_316 {offsets = [0, 36], sizes = [512, 36], strides = [1, 1]} : vector<512x128xf32> to vector<512x36xf32>
    %slice3A_319 = vector.extract_strided_slice %reshape3A_316 {offsets = [0, 72], sizes = [512, 36], strides = [1, 1]} : vector<512x128xf32> to vector<512x36xf32>
    %slice3A_320 = vector.extract_strided_slice %get3A_1 {offsets = [0, 15], sizes = [512, 1], strides = [1, 1]} : vector<512x26xf32> to vector<512x1xf32>
    %lt3A_321 = arith.constant 5.000000e-01 : f32
    %lt3A_322 = vector.broadcast %lt3A_321 : f32 to vector<512x1xf32>
    %lt3A_323 = arith.cmpf olt, %slice3A_320, %lt3A_322 : vector<512x1xf32>
    %lt3A_324 = arith.constant 1.500000e+00 : f32
    %lt3A_325 = vector.broadcast %lt3A_324 : f32 to vector<512x1xf32>
    %lt3A_326 = arith.cmpf olt, %slice3A_320, %lt3A_325 : vector<512x1xf32>
    %broadcast_in_dim3A_327 = vector.shape_cast %lt3A_326 : vector<512x1xi1> to vector<512x1xi1>
    %broadcast_in_dim3A_328 = vector.broadcast %broadcast_in_dim3A_327 : vector<512x1xi1> to vector<512x36xi1>
    %select_n3A_329 = arith.select %broadcast_in_dim3A_328, %slice3A_318, %slice3A_319 : vector<512x36xi1>, vector<512x36xf32>
    %broadcast_in_dim3A_330 = vector.shape_cast %lt3A_323 : vector<512x1xi1> to vector<512x1xi1>
    %broadcast_in_dim3A_331 = vector.broadcast %broadcast_in_dim3A_330 : vector<512x1xi1> to vector<512x36xi1>
    %select_n3A_332 = arith.select %broadcast_in_dim3A_331, %slice3A_317, %select_n3A_329 : vector<512x36xi1>, vector<512x36xf32>
    %get3A_333 = arith.constant 0 : index
    %get3A_334 = arith.constant 128 : index
    %get3A_335 = arith.constant 0 : index
    %get3A_336 = vector.load %arg1[%get3A_333, %get3A_334, %get3A_335] : memref<64x208x128xf32, #tpu.memory_space<vmem>>, vector<64x8x128xf32>
    %reshape3A_337 = vector.shape_cast %get3A_336 : vector<64x8x128xf32> to vector<512x128xf32>
    %slice3A_338 = vector.extract_strided_slice %reshape3A_337 {offsets = [0, 0], sizes = [512, 36], strides = [1, 1]} : vector<512x128xf32> to vector<512x36xf32>
    %slice3A_339 = vector.extract_strided_slice %reshape3A_337 {offsets = [0, 36], sizes = [512, 36], strides = [1, 1]} : vector<512x128xf32> to vector<512x36xf32>
    %slice3A_340 = vector.extract_strided_slice %reshape3A_337 {offsets = [0, 72], sizes = [512, 36], strides = [1, 1]} : vector<512x128xf32> to vector<512x36xf32>
    %slice3A_341 = vector.extract_strided_slice %get3A_1 {offsets = [0, 16], sizes = [512, 1], strides = [1, 1]} : vector<512x26xf32> to vector<512x1xf32>
    %lt3A_342 = arith.constant 5.000000e-01 : f32
    %lt3A_343 = vector.broadcast %lt3A_342 : f32 to vector<512x1xf32>
    %lt3A_344 = arith.cmpf olt, %slice3A_341, %lt3A_343 : vector<512x1xf32>
    %lt3A_345 = arith.constant 1.500000e+00 : f32
    %lt3A_346 = vector.broadcast %lt3A_345 : f32 to vector<512x1xf32>
    %lt3A_347 = arith.cmpf olt, %slice3A_341, %lt3A_346 : vector<512x1xf32>
    %broadcast_in_dim3A_348 = vector.shape_cast %lt3A_347 : vector<512x1xi1> to vector<512x1xi1>
    %broadcast_in_dim3A_349 = vector.broadcast %broadcast_in_dim3A_348 : vector<512x1xi1> to vector<512x36xi1>
    %select_n3A_350 = arith.select %broadcast_in_dim3A_349, %slice3A_339, %slice3A_340 : vector<512x36xi1>, vector<512x36xf32>
    %broadcast_in_dim3A_351 = vector.shape_cast %lt3A_344 : vector<512x1xi1> to vector<512x1xi1>
    %broadcast_in_dim3A_352 = vector.broadcast %broadcast_in_dim3A_351 : vector<512x1xi1> to vector<512x36xi1>
    %select_n3A_353 = arith.select %broadcast_in_dim3A_352, %slice3A_338, %select_n3A_350 : vector<512x36xi1>, vector<512x36xf32>
    %get3A_354 = arith.constant 0 : index
    %get3A_355 = arith.constant 136 : index
    %get3A_356 = arith.constant 0 : index
    %get3A_357 = vector.load %arg1[%get3A_354, %get3A_355, %get3A_356] : memref<64x208x128xf32, #tpu.memory_space<vmem>>, vector<64x8x128xf32>
    %reshape3A_358 = vector.shape_cast %get3A_357 : vector<64x8x128xf32> to vector<512x128xf32>
    %slice3A_359 = vector.extract_strided_slice %reshape3A_358 {offsets = [0, 0], sizes = [512, 36], strides = [1, 1]} : vector<512x128xf32> to vector<512x36xf32>
    %slice3A_360 = vector.extract_strided_slice %reshape3A_358 {offsets = [0, 36], sizes = [512, 36], strides = [1, 1]} : vector<512x128xf32> to vector<512x36xf32>
    %slice3A_361 = vector.extract_strided_slice %reshape3A_358 {offsets = [0, 72], sizes = [512, 36], strides = [1, 1]} : vector<512x128xf32> to vector<512x36xf32>
    %slice3A_362 = vector.extract_strided_slice %get3A_1 {offsets = [0, 17], sizes = [512, 1], strides = [1, 1]} : vector<512x26xf32> to vector<512x1xf32>
    %lt3A_363 = arith.constant 5.000000e-01 : f32
    %lt3A_364 = vector.broadcast %lt3A_363 : f32 to vector<512x1xf32>
    %lt3A_365 = arith.cmpf olt, %slice3A_362, %lt3A_364 : vector<512x1xf32>
    %lt3A_366 = arith.constant 1.500000e+00 : f32
    %lt3A_367 = vector.broadcast %lt3A_366 : f32 to vector<512x1xf32>
    %lt3A_368 = arith.cmpf olt, %slice3A_362, %lt3A_367 : vector<512x1xf32>
    %broadcast_in_dim3A_369 = vector.shape_cast %lt3A_368 : vector<512x1xi1> to vector<512x1xi1>
    %broadcast_in_dim3A_370 = vector.broadcast %broadcast_in_dim3A_369 : vector<512x1xi1> to vector<512x36xi1>
    %select_n3A_371 = arith.select %broadcast_in_dim3A_370, %slice3A_360, %slice3A_361 : vector<512x36xi1>, vector<512x36xf32>
    %broadcast_in_dim3A_372 = vector.shape_cast %lt3A_365 : vector<512x1xi1> to vector<512x1xi1>
    %broadcast_in_dim3A_373 = vector.broadcast %broadcast_in_dim3A_372 : vector<512x1xi1> to vector<512x36xi1>
    %select_n3A_374 = arith.select %broadcast_in_dim3A_373, %slice3A_359, %select_n3A_371 : vector<512x36xi1>, vector<512x36xf32>
    %get3A_375 = arith.constant 0 : index
    %get3A_376 = arith.constant 144 : index
    %get3A_377 = arith.constant 0 : index
    %get3A_378 = vector.load %arg1[%get3A_375, %get3A_376, %get3A_377] : memref<64x208x128xf32, #tpu.memory_space<vmem>>, vector<64x8x128xf32>
    %reshape3A_379 = vector.shape_cast %get3A_378 : vector<64x8x128xf32> to vector<512x128xf32>
    %slice3A_380 = vector.extract_strided_slice %reshape3A_379 {offsets = [0, 0], sizes = [512, 36], strides = [1, 1]} : vector<512x128xf32> to vector<512x36xf32>
    %slice3A_381 = vector.extract_strided_slice %reshape3A_379 {offsets = [0, 36], sizes = [512, 36], strides = [1, 1]} : vector<512x128xf32> to vector<512x36xf32>
    %slice3A_382 = vector.extract_strided_slice %reshape3A_379 {offsets = [0, 72], sizes = [512, 36], strides = [1, 1]} : vector<512x128xf32> to vector<512x36xf32>
    %slice3A_383 = vector.extract_strided_slice %get3A_1 {offsets = [0, 18], sizes = [512, 1], strides = [1, 1]} : vector<512x26xf32> to vector<512x1xf32>
    %lt3A_384 = arith.constant 5.000000e-01 : f32
    %lt3A_385 = vector.broadcast %lt3A_384 : f32 to vector<512x1xf32>
    %lt3A_386 = arith.cmpf olt, %slice3A_383, %lt3A_385 : vector<512x1xf32>
    %lt3A_387 = arith.constant 1.500000e+00 : f32
    %lt3A_388 = vector.broadcast %lt3A_387 : f32 to vector<512x1xf32>
    %lt3A_389 = arith.cmpf olt, %slice3A_383, %lt3A_388 : vector<512x1xf32>
    %broadcast_in_dim3A_390 = vector.shape_cast %lt3A_389 : vector<512x1xi1> to vector<512x1xi1>
    %broadcast_in_dim3A_391 = vector.broadcast %broadcast_in_dim3A_390 : vector<512x1xi1> to vector<512x36xi1>
    %select_n3A_392 = arith.select %broadcast_in_dim3A_391, %slice3A_381, %slice3A_382 : vector<512x36xi1>, vector<512x36xf32>
    %broadcast_in_dim3A_393 = vector.shape_cast %lt3A_386 : vector<512x1xi1> to vector<512x1xi1>
    %broadcast_in_dim3A_394 = vector.broadcast %broadcast_in_dim3A_393 : vector<512x1xi1> to vector<512x36xi1>
    %select_n3A_395 = arith.select %broadcast_in_dim3A_394, %slice3A_380, %select_n3A_392 : vector<512x36xi1>, vector<512x36xf32>
    %get3A_396 = arith.constant 0 : index
    %get3A_397 = arith.constant 152 : index
    %get3A_398 = arith.constant 0 : index
    %get3A_399 = vector.load %arg1[%get3A_396, %get3A_397, %get3A_398] : memref<64x208x128xf32, #tpu.memory_space<vmem>>, vector<64x8x128xf32>
    %reshape3A_400 = vector.shape_cast %get3A_399 : vector<64x8x128xf32> to vector<512x128xf32>
    %slice3A_401 = vector.extract_strided_slice %reshape3A_400 {offsets = [0, 0], sizes = [512, 36], strides = [1, 1]} : vector<512x128xf32> to vector<512x36xf32>
    %slice3A_402 = vector.extract_strided_slice %reshape3A_400 {offsets = [0, 36], sizes = [512, 36], strides = [1, 1]} : vector<512x128xf32> to vector<512x36xf32>
    %slice3A_403 = vector.extract_strided_slice %reshape3A_400 {offsets = [0, 72], sizes = [512, 36], strides = [1, 1]} : vector<512x128xf32> to vector<512x36xf32>
    %slice3A_404 = vector.extract_strided_slice %get3A_1 {offsets = [0, 19], sizes = [512, 1], strides = [1, 1]} : vector<512x26xf32> to vector<512x1xf32>
    %lt3A_405 = arith.constant 5.000000e-01 : f32
    %lt3A_406 = vector.broadcast %lt3A_405 : f32 to vector<512x1xf32>
    %lt3A_407 = arith.cmpf olt, %slice3A_404, %lt3A_406 : vector<512x1xf32>
    %lt3A_408 = arith.constant 1.500000e+00 : f32
    %lt3A_409 = vector.broadcast %lt3A_408 : f32 to vector<512x1xf32>
    %lt3A_410 = arith.cmpf olt, %slice3A_404, %lt3A_409 : vector<512x1xf32>
    %broadcast_in_dim3A_411 = vector.shape_cast %lt3A_410 : vector<512x1xi1> to vector<512x1xi1>
    %broadcast_in_dim3A_412 = vector.broadcast %broadcast_in_dim3A_411 : vector<512x1xi1> to vector<512x36xi1>
    %select_n3A_413 = arith.select %broadcast_in_dim3A_412, %slice3A_402, %slice3A_403 : vector<512x36xi1>, vector<512x36xf32>
    %broadcast_in_dim3A_414 = vector.shape_cast %lt3A_407 : vector<512x1xi1> to vector<512x1xi1>
    %broadcast_in_dim3A_415 = vector.broadcast %broadcast_in_dim3A_414 : vector<512x1xi1> to vector<512x36xi1>
    %select_n3A_416 = arith.select %broadcast_in_dim3A_415, %slice3A_401, %select_n3A_413 : vector<512x36xi1>, vector<512x36xf32>
    %get3A_417 = arith.constant 0 : index
    %get3A_418 = arith.constant 160 : index
    %get3A_419 = arith.constant 0 : index
    %get3A_420 = vector.load %arg1[%get3A_417, %get3A_418, %get3A_419] : memref<64x208x128xf32, #tpu.memory_space<vmem>>, vector<64x8x128xf32>
    %reshape3A_421 = vector.shape_cast %get3A_420 : vector<64x8x128xf32> to vector<512x128xf32>
    %slice3A_422 = vector.extract_strided_slice %reshape3A_421 {offsets = [0, 0], sizes = [512, 36], strides = [1, 1]} : vector<512x128xf32> to vector<512x36xf32>
    %slice3A_423 = vector.extract_strided_slice %reshape3A_421 {offsets = [0, 36], sizes = [512, 36], strides = [1, 1]} : vector<512x128xf32> to vector<512x36xf32>
    %slice3A_424 = vector.extract_strided_slice %reshape3A_421 {offsets = [0, 72], sizes = [512, 36], strides = [1, 1]} : vector<512x128xf32> to vector<512x36xf32>
    %slice3A_425 = vector.extract_strided_slice %get3A_1 {offsets = [0, 20], sizes = [512, 1], strides = [1, 1]} : vector<512x26xf32> to vector<512x1xf32>
    %lt3A_426 = arith.constant 5.000000e-01 : f32
    %lt3A_427 = vector.broadcast %lt3A_426 : f32 to vector<512x1xf32>
    %lt3A_428 = arith.cmpf olt, %slice3A_425, %lt3A_427 : vector<512x1xf32>
    %lt3A_429 = arith.constant 1.500000e+00 : f32
    %lt3A_430 = vector.broadcast %lt3A_429 : f32 to vector<512x1xf32>
    %lt3A_431 = arith.cmpf olt, %slice3A_425, %lt3A_430 : vector<512x1xf32>
    %broadcast_in_dim3A_432 = vector.shape_cast %lt3A_431 : vector<512x1xi1> to vector<512x1xi1>
    %broadcast_in_dim3A_433 = vector.broadcast %broadcast_in_dim3A_432 : vector<512x1xi1> to vector<512x36xi1>
    %select_n3A_434 = arith.select %broadcast_in_dim3A_433, %slice3A_423, %slice3A_424 : vector<512x36xi1>, vector<512x36xf32>
    %broadcast_in_dim3A_435 = vector.shape_cast %lt3A_428 : vector<512x1xi1> to vector<512x1xi1>
    %broadcast_in_dim3A_436 = vector.broadcast %broadcast_in_dim3A_435 : vector<512x1xi1> to vector<512x36xi1>
    %select_n3A_437 = arith.select %broadcast_in_dim3A_436, %slice3A_422, %select_n3A_434 : vector<512x36xi1>, vector<512x36xf32>
    %get3A_438 = arith.constant 0 : index
    %get3A_439 = arith.constant 168 : index
    %get3A_440 = arith.constant 0 : index
    %get3A_441 = vector.load %arg1[%get3A_438, %get3A_439, %get3A_440] : memref<64x208x128xf32, #tpu.memory_space<vmem>>, vector<64x8x128xf32>
    %reshape3A_442 = vector.shape_cast %get3A_441 : vector<64x8x128xf32> to vector<512x128xf32>
    %slice3A_443 = vector.extract_strided_slice %reshape3A_442 {offsets = [0, 0], sizes = [512, 36], strides = [1, 1]} : vector<512x128xf32> to vector<512x36xf32>
    %slice3A_444 = vector.extract_strided_slice %reshape3A_442 {offsets = [0, 36], sizes = [512, 36], strides = [1, 1]} : vector<512x128xf32> to vector<512x36xf32>
    %slice3A_445 = vector.extract_strided_slice %reshape3A_442 {offsets = [0, 72], sizes = [512, 36], strides = [1, 1]} : vector<512x128xf32> to vector<512x36xf32>
    %slice3A_446 = vector.extract_strided_slice %get3A_1 {offsets = [0, 21], sizes = [512, 1], strides = [1, 1]} : vector<512x26xf32> to vector<512x1xf32>
    %lt3A_447 = arith.constant 5.000000e-01 : f32
    %lt3A_448 = vector.broadcast %lt3A_447 : f32 to vector<512x1xf32>
    %lt3A_449 = arith.cmpf olt, %slice3A_446, %lt3A_448 : vector<512x1xf32>
    %lt3A_450 = arith.constant 1.500000e+00 : f32
    %lt3A_451 = vector.broadcast %lt3A_450 : f32 to vector<512x1xf32>
    %lt3A_452 = arith.cmpf olt, %slice3A_446, %lt3A_451 : vector<512x1xf32>
    %broadcast_in_dim3A_453 = vector.shape_cast %lt3A_452 : vector<512x1xi1> to vector<512x1xi1>
    %broadcast_in_dim3A_454 = vector.broadcast %broadcast_in_dim3A_453 : vector<512x1xi1> to vector<512x36xi1>
    %select_n3A_455 = arith.select %broadcast_in_dim3A_454, %slice3A_444, %slice3A_445 : vector<512x36xi1>, vector<512x36xf32>
    %broadcast_in_dim3A_456 = vector.shape_cast %lt3A_449 : vector<512x1xi1> to vector<512x1xi1>
    %broadcast_in_dim3A_457 = vector.broadcast %broadcast_in_dim3A_456 : vector<512x1xi1> to vector<512x36xi1>
    %select_n3A_458 = arith.select %broadcast_in_dim3A_457, %slice3A_443, %select_n3A_455 : vector<512x36xi1>, vector<512x36xf32>
    %get3A_459 = arith.constant 0 : index
    %get3A_460 = arith.constant 176 : index
    %get3A_461 = arith.constant 0 : index
    %get3A_462 = vector.load %arg1[%get3A_459, %get3A_460, %get3A_461] : memref<64x208x128xf32, #tpu.memory_space<vmem>>, vector<64x8x128xf32>
    %reshape3A_463 = vector.shape_cast %get3A_462 : vector<64x8x128xf32> to vector<512x128xf32>
    %slice3A_464 = vector.extract_strided_slice %reshape3A_463 {offsets = [0, 0], sizes = [512, 36], strides = [1, 1]} : vector<512x128xf32> to vector<512x36xf32>
    %slice3A_465 = vector.extract_strided_slice %reshape3A_463 {offsets = [0, 36], sizes = [512, 36], strides = [1, 1]} : vector<512x128xf32> to vector<512x36xf32>
    %slice3A_466 = vector.extract_strided_slice %reshape3A_463 {offsets = [0, 72], sizes = [512, 36], strides = [1, 1]} : vector<512x128xf32> to vector<512x36xf32>
    %slice3A_467 = vector.extract_strided_slice %get3A_1 {offsets = [0, 22], sizes = [512, 1], strides = [1, 1]} : vector<512x26xf32> to vector<512x1xf32>
    %lt3A_468 = arith.constant 5.000000e-01 : f32
    %lt3A_469 = vector.broadcast %lt3A_468 : f32 to vector<512x1xf32>
    %lt3A_470 = arith.cmpf olt, %slice3A_467, %lt3A_469 : vector<512x1xf32>
    %lt3A_471 = arith.constant 1.500000e+00 : f32
    %lt3A_472 = vector.broadcast %lt3A_471 : f32 to vector<512x1xf32>
    %lt3A_473 = arith.cmpf olt, %slice3A_467, %lt3A_472 : vector<512x1xf32>
    %broadcast_in_dim3A_474 = vector.shape_cast %lt3A_473 : vector<512x1xi1> to vector<512x1xi1>
    %broadcast_in_dim3A_475 = vector.broadcast %broadcast_in_dim3A_474 : vector<512x1xi1> to vector<512x36xi1>
    %select_n3A_476 = arith.select %broadcast_in_dim3A_475, %slice3A_465, %slice3A_466 : vector<512x36xi1>, vector<512x36xf32>
    %broadcast_in_dim3A_477 = vector.shape_cast %lt3A_470 : vector<512x1xi1> to vector<512x1xi1>
    %broadcast_in_dim3A_478 = vector.broadcast %broadcast_in_dim3A_477 : vector<512x1xi1> to vector<512x36xi1>
    %select_n3A_479 = arith.select %broadcast_in_dim3A_478, %slice3A_464, %select_n3A_476 : vector<512x36xi1>, vector<512x36xf32>
    %get3A_480 = arith.constant 0 : index
    %get3A_481 = arith.constant 184 : index
    %get3A_482 = arith.constant 0 : index
    %get3A_483 = vector.load %arg1[%get3A_480, %get3A_481, %get3A_482] : memref<64x208x128xf32, #tpu.memory_space<vmem>>, vector<64x8x128xf32>
    %reshape3A_484 = vector.shape_cast %get3A_483 : vector<64x8x128xf32> to vector<512x128xf32>
    %slice3A_485 = vector.extract_strided_slice %reshape3A_484 {offsets = [0, 0], sizes = [512, 36], strides = [1, 1]} : vector<512x128xf32> to vector<512x36xf32>
    %slice3A_486 = vector.extract_strided_slice %reshape3A_484 {offsets = [0, 36], sizes = [512, 36], strides = [1, 1]} : vector<512x128xf32> to vector<512x36xf32>
    %slice3A_487 = vector.extract_strided_slice %reshape3A_484 {offsets = [0, 72], sizes = [512, 36], strides = [1, 1]} : vector<512x128xf32> to vector<512x36xf32>
    %slice3A_488 = vector.extract_strided_slice %get3A_1 {offsets = [0, 23], sizes = [512, 1], strides = [1, 1]} : vector<512x26xf32> to vector<512x1xf32>
    %lt3A_489 = arith.constant 5.000000e-01 : f32
    %lt3A_490 = vector.broadcast %lt3A_489 : f32 to vector<512x1xf32>
    %lt3A_491 = arith.cmpf olt, %slice3A_488, %lt3A_490 : vector<512x1xf32>
    %lt3A_492 = arith.constant 1.500000e+00 : f32
    %lt3A_493 = vector.broadcast %lt3A_492 : f32 to vector<512x1xf32>
    %lt3A_494 = arith.cmpf olt, %slice3A_488, %lt3A_493 : vector<512x1xf32>
    %broadcast_in_dim3A_495 = vector.shape_cast %lt3A_494 : vector<512x1xi1> to vector<512x1xi1>
    %broadcast_in_dim3A_496 = vector.broadcast %broadcast_in_dim3A_495 : vector<512x1xi1> to vector<512x36xi1>
    %select_n3A_497 = arith.select %broadcast_in_dim3A_496, %slice3A_486, %slice3A_487 : vector<512x36xi1>, vector<512x36xf32>
    %broadcast_in_dim3A_498 = vector.shape_cast %lt3A_491 : vector<512x1xi1> to vector<512x1xi1>
    %broadcast_in_dim3A_499 = vector.broadcast %broadcast_in_dim3A_498 : vector<512x1xi1> to vector<512x36xi1>
    %select_n3A_500 = arith.select %broadcast_in_dim3A_499, %slice3A_485, %select_n3A_497 : vector<512x36xi1>, vector<512x36xf32>
    %get3A_501 = arith.constant 0 : index
    %get3A_502 = arith.constant 192 : index
    %get3A_503 = arith.constant 0 : index
    %get3A_504 = vector.load %arg1[%get3A_501, %get3A_502, %get3A_503] : memref<64x208x128xf32, #tpu.memory_space<vmem>>, vector<64x8x128xf32>
    %reshape3A_505 = vector.shape_cast %get3A_504 : vector<64x8x128xf32> to vector<512x128xf32>
    %slice3A_506 = vector.extract_strided_slice %reshape3A_505 {offsets = [0, 0], sizes = [512, 36], strides = [1, 1]} : vector<512x128xf32> to vector<512x36xf32>
    %slice3A_507 = vector.extract_strided_slice %reshape3A_505 {offsets = [0, 36], sizes = [512, 36], strides = [1, 1]} : vector<512x128xf32> to vector<512x36xf32>
    %slice3A_508 = vector.extract_strided_slice %reshape3A_505 {offsets = [0, 72], sizes = [512, 36], strides = [1, 1]} : vector<512x128xf32> to vector<512x36xf32>
    %slice3A_509 = vector.extract_strided_slice %get3A_1 {offsets = [0, 24], sizes = [512, 1], strides = [1, 1]} : vector<512x26xf32> to vector<512x1xf32>
    %lt3A_510 = arith.constant 5.000000e-01 : f32
    %lt3A_511 = vector.broadcast %lt3A_510 : f32 to vector<512x1xf32>
    %lt3A_512 = arith.cmpf olt, %slice3A_509, %lt3A_511 : vector<512x1xf32>
    %lt3A_513 = arith.constant 1.500000e+00 : f32
    %lt3A_514 = vector.broadcast %lt3A_513 : f32 to vector<512x1xf32>
    %lt3A_515 = arith.cmpf olt, %slice3A_509, %lt3A_514 : vector<512x1xf32>
    %broadcast_in_dim3A_516 = vector.shape_cast %lt3A_515 : vector<512x1xi1> to vector<512x1xi1>
    %broadcast_in_dim3A_517 = vector.broadcast %broadcast_in_dim3A_516 : vector<512x1xi1> to vector<512x36xi1>
    %select_n3A_518 = arith.select %broadcast_in_dim3A_517, %slice3A_507, %slice3A_508 : vector<512x36xi1>, vector<512x36xf32>
    %broadcast_in_dim3A_519 = vector.shape_cast %lt3A_512 : vector<512x1xi1> to vector<512x1xi1>
    %broadcast_in_dim3A_520 = vector.broadcast %broadcast_in_dim3A_519 : vector<512x1xi1> to vector<512x36xi1>
    %select_n3A_521 = arith.select %broadcast_in_dim3A_520, %slice3A_506, %select_n3A_518 : vector<512x36xi1>, vector<512x36xf32>
    %get3A_522 = arith.constant 0 : index
    %get3A_523 = arith.constant 200 : index
    %get3A_524 = arith.constant 0 : index
    %get3A_525 = vector.load %arg1[%get3A_522, %get3A_523, %get3A_524] : memref<64x208x128xf32, #tpu.memory_space<vmem>>, vector<64x8x128xf32>
    %reshape3A_526 = vector.shape_cast %get3A_525 : vector<64x8x128xf32> to vector<512x128xf32>
    %slice3A_527 = vector.extract_strided_slice %reshape3A_526 {offsets = [0, 0], sizes = [512, 36], strides = [1, 1]} : vector<512x128xf32> to vector<512x36xf32>
    %slice3A_528 = vector.extract_strided_slice %reshape3A_526 {offsets = [0, 36], sizes = [512, 36], strides = [1, 1]} : vector<512x128xf32> to vector<512x36xf32>
    %slice3A_529 = vector.extract_strided_slice %reshape3A_526 {offsets = [0, 72], sizes = [512, 36], strides = [1, 1]} : vector<512x128xf32> to vector<512x36xf32>
    %slice3A_530 = vector.extract_strided_slice %get3A_1 {offsets = [0, 25], sizes = [512, 1], strides = [1, 1]} : vector<512x26xf32> to vector<512x1xf32>
    %lt3A_531 = arith.constant 5.000000e-01 : f32
    %lt3A_532 = vector.broadcast %lt3A_531 : f32 to vector<512x1xf32>
    %lt3A_533 = arith.cmpf olt, %slice3A_530, %lt3A_532 : vector<512x1xf32>
    %lt3A_534 = arith.constant 1.500000e+00 : f32
    %lt3A_535 = vector.broadcast %lt3A_534 : f32 to vector<512x1xf32>
    %lt3A_536 = arith.cmpf olt, %slice3A_530, %lt3A_535 : vector<512x1xf32>
    %broadcast_in_dim3A_537 = vector.shape_cast %lt3A_536 : vector<512x1xi1> to vector<512x1xi1>
    %broadcast_in_dim3A_538 = vector.broadcast %broadcast_in_dim3A_537 : vector<512x1xi1> to vector<512x36xi1>
    %select_n3A_539 = arith.select %broadcast_in_dim3A_538, %slice3A_528, %slice3A_529 : vector<512x36xi1>, vector<512x36xf32>
    %broadcast_in_dim3A_540 = vector.shape_cast %lt3A_533 : vector<512x1xi1> to vector<512x1xi1>
    %broadcast_in_dim3A_541 = vector.broadcast %broadcast_in_dim3A_540 : vector<512x1xi1> to vector<512x36xi1>
    %select_n3A_542 = arith.select %broadcast_in_dim3A_541, %slice3A_527, %select_n3A_539 : vector<512x36xi1>, vector<512x36xf32>
    %get3A_543 = arith.constant 0 : index
    %get3A_544 = arith.constant 0 : index
    %get3A_545 = vector.load %arg3[%get3A_543, %get3A_544] : memref<512x13xf32, #tpu.memory_space<vmem>>, vector<512x13xf32>
    %get3A_546 = arith.constant 0 : index
    %get3A_547 = arith.constant 0 : index
    %get3A_548 = vector.load %arg4[%get3A_546, %get3A_547] : memref<13x104xf32, #tpu.memory_space<vmem>>, vector<13x104xf32>
    %dot_general3A = arith.constant dense<0.000000e+00> : vector<512x104xf32>
    %dot_general3A_549 = tpu.matmul %get3A_545, %get3A_548, %dot_general3A {dimension_numbers = #tpu.dot_dimension_numbers<[1], [0], [0], [1], [0, 0, 1, 1], [], []>, precision = #tpu.contract_precision<fp32>, transpose_lhs_hint = false} : vector<512x13xf32>, vector<13x104xf32>, vector<512x104xf32> -> vector<512x104xf32>
    %get3A_550 = arith.constant 0 : index
    %get3A_551 = arith.constant 0 : index
    %get3A_552 = vector.load %arg5[%get3A_550, %get3A_551] : memref<1x104xf32, #tpu.memory_space<vmem>>, vector<1x104xf32>
    %add3A = vector.broadcast %get3A_552 : vector<1x104xf32> to vector<512x104xf32>
    %add3A_553 = arith.addf %dot_general3A_549, %add3A : vector<512x104xf32>
    %max3A = arith.constant 0.000000e+00 : f32
    %max3A_554 = vector.broadcast %max3A : f32 to vector<512x104xf32>
    %max3A_555 = arith.maximumf %add3A_553, %max3A_554 : vector<512x104xf32>
    %concatenate3A = tpu.concatenate %select_n3A_17, %select_n3A_38, %select_n3A_59, %select_n3A_80, %select_n3A_101, %select_n3A_122, %select_n3A_143, %select_n3A_164, %select_n3A_185, %select_n3A_206, %select_n3A_227, %select_n3A_248, %select_n3A_269, %select_n3A_290, %select_n3A_311, %select_n3A_332, %select_n3A_353, %select_n3A_374, %select_n3A_395, %select_n3A_416, %select_n3A_437, %select_n3A_458, %select_n3A_479, %select_n3A_500, %select_n3A_521, %select_n3A_542, %max3A_555 in 1 : vector<512x36xf32>, vector<512x36xf32>, vector<512x36xf32>, vector<512x36xf32>, vector<512x36xf32>, vector<512x36xf32>, vector<512x36xf32>, vector<512x36xf32>, vector<512x36xf32>, vector<512x36xf32>, vector<512x36xf32>, vector<512x36xf32>, vector<512x36xf32>, vector<512x36xf32>, vector<512x36xf32>, vector<512x36xf32>, vector<512x36xf32>, vector<512x36xf32>, vector<512x36xf32>, vector<512x36xf32>, vector<512x36xf32>, vector<512x36xf32>, vector<512x36xf32>, vector<512x36xf32>, vector<512x36xf32>, vector<512x36xf32>, vector<512x104xf32> -> vector<512x1040xf32>
    %swap3A = arith.constant 0 : index
    %swap3A_556 = arith.constant 0 : index
    %swap3A_557 = vector.load %arg6[%swap3A, %swap3A_556] : memref<512x1040xf32, #tpu.memory_space<vmem>>, vector<512x1040xf32>
    tpu.vector_store %arg6[%swap3A, %swap3A_556], %concatenate3A {strides = array<i32>} : memref<512x1040xf32, #tpu.memory_space<vmem>>, vector<512x1040xf32>,
    return
  }
  func.func @transform_0(%arg0: i32) -> (i32, i32, i32) {
    %c0_i32 = arith.constant 0 : i32
    %c0_i32_0 = arith.constant 0 : i32
    %c0_i32_1 = arith.constant 0 : i32
    return %arg0, %c0_i32, %c0_i32_0 : i32, i32, i32
  }
  func.func @transform_1(%arg0: i32) -> (i32, i32) {
    %c0_i32 = arith.constant 0 : i32
    %c0_i32_0 = arith.constant 0 : i32
    return %arg0, %c0_i32 : i32, i32
  }
  func.func @transform_2(%arg0: i32) -> (i32, i32) {
    %c0_i32 = arith.constant 0 : i32
    %c0_i32_0 = arith.constant 0 : i32
    return %arg0, %c0_i32 : i32, i32
  }
  func.func @transform_3(%arg0: i32) -> (i32, i32) {
    %c0_i32 = arith.constant 0 : i32
    %c0_i32_0 = arith.constant 0 : i32
    %c0_i32_1 = arith.constant 0 : i32
    return %c0_i32, %c0_i32_0 : i32, i32
  }
  func.func @transform_4(%arg0: i32) -> (i32, i32) {
    %c0_i32 = arith.constant 0 : i32
    %c0_i32_0 = arith.constant 0 : i32
    %c0_i32_1 = arith.constant 0 : i32
    return %c0_i32, %c0_i32_0 : i32, i32
  }
  func.func @transform_5(%arg0: i32) -> (i32, i32) {
    %c0_i32 = arith.constant 0 : i32
    %c0_i32_0 = arith.constant 0 : i32
    return %arg0, %c0_i32 : i32, i32
  }
}

</mosaic_0001>

<sc_bundles>
// kernel: kernel.5.cloned.1.call-start
scs
__scs_entry_jumppad:
0x0: {  	(pc) =	sbr.rel $0x88, $3  }
0x1: {  	(tag) =	ssettag $0x0;
	lr =	simm.s32 $0x1  }
0x2: {  	[smem:$0x3F9C] =	sst lr;
	_ =	strace $0xD0000000  }
0x3: {  	_ = 	snop  }
0x4: {  	_ = 	snop  }
0x5: {  	_ = 	snop  }
0x6: {  	_ = 	snop  }
0x7: {  	_ = 	snop  }
__scs_overlays_trampoline_lowered:
0x8: {  	[smem:$0x3FAB] =	sst s0  }
0x9: {  	[smem:$0x3FAC] =	sst s1  }
0xa: {  	[smem:$0x3FAD] =	sst s2  }
0xb: {  	[smem:$0x3FAE] =	sst s3  }
0xc: {  	[smem:$0x3FAF] =	sst s4  }
0xd: {  	[smem:$0x3FB0] =	sst s5  }
0xe: {  	[smem:$0x3FB1] =	sst s6  }
0xf: {  	[smem:$0x3FB2] =	sst s7  }
0x10: {  	[smem:$0x3FB3] =	sst s8  }
0x11: {  	[smem:$0x3FB4] =	sst s9;
	s0 =	simm.s32 @!p0 $0x0  }
0x12: {  	s1 =	sld [smem:$0x3F9A];
	s0 =	simm.s32 @p0 $0x1  }
0x13: {  	[smem:$0x3FB5] =	sst s0;
	s0 =	simm.s32 @!p1 $0x0  }
0x14: {  	s2 =	sld [smem:$0x3F99];
	s0 =	simm.s32 @p1 $0x1  }
0x15: {  	[smem:$0x3FB6] =	sst s0;
	s0 =	simm.s32 @!p2 $0x0  }
0x16: {  	s3 =	sld [smem:$0x3FDB];
	s0 =	simm.s32 @p2 $0x1  }
0x17: {  	s4 =	simm.s32 $0x1BF5;
	[smem:$0x3FB8] =	sst s0  }
0x18: {  	s0 =	sld [smem:$0x3F9B];
	_ =	swait.ge [sflag:s4], $0x0  }
0x19: {  	s7 =	sld [smem:$0x3F9C]  }
0x1a: {  	s8 =	sadd.s32 $0xFFFFE003, lr  }
0x1b: {  	s9 =	sadd.s32 $0xFFFFFEF7, lr;
	s5 =	simm.s32 $0xFFFFFFFF;
	p2 =	slt.u32 s8, $0xFFFFF086  }
0x1c: {  	p1 =	slt.u32 s9, $0xF7A;
	s5 =	simm.s32 @!p2 $0x0  }
0x1d: {  	s5 =	simm.s32 @p1 $0x1;
	p0 =	seq.s32 s7, s2  }
0x1e: {  	s7 =	smul.u32 @!p0 $0xF7A, s2;
	p2 =	seq.s32 @!p0 s5, $0x0  }
0x1f: {  	s9 =	smul.u32 $0xF7A, s1;
	s8 =	simm.s32 @!p0 $0x1BF5;
	p2 =	por !p2, p0  }
0x20: {  	[sflag:s8] =	ssyncset.s32 @!p0 $0xFFFFF086;
	s6 =	sadd.s32 @!p0 s3, s7;
	s7 =	simm.s32 @!p0 $0x108  }
0x21: {  	s3 =	sadd.s32 s3, s9;
	s6 =	sadd.s32 @!p0 $0x88, s6;
	s7 =	simm.s32 @p2 $0x1082  }
0x22: {  	[simem:s7], [sflag:s8] =	dma.local @!p0 [hbm:s6], $0xF7A  }
0x23: {  	s9 =	sor.u32 $0xD0000000, s2;
	s6 =	simm.s32 $0x108;
	_ =	swait.ge @!p0 [sflag:s8], $0x0  }
0x24: {  	s3 =	sadd.s32 $0x88, s3;
	s6 =	simm.s32 @!p1 $0x1082;
	[sflag:s4] =	ssyncset.s32 $0xFFFFF086  }
0x25: {  	[simem:s6], [sflag:s4] =	dma.local [hbm:s3], $0xF7A  }
0x26: {  	[smem:$0x3F9C] =	sst s1;
	(tag) =	ssettag s2;
	_ =	strace s9  }
0x27: {  	s1 =	sld [smem:$0x3FAC]  }
0x28: {  	s2 =	sld [smem:$0x3FAD]  }
0x29: {  	s4 =	sld [smem:$0x3FAF]  }
0x2a: {  	p0 =	seq.s32 s5, $0x0;
	s5 =	sld [smem:$0x3FB0]  }
0x2b: {  	s6 =	sld [smem:$0x3FB1]  }
0x2c: {  	s7 =	sld [smem:$0x3FB2]  }
0x2d: {  	s3 =	simm.s32 $0x108;
	s8 =	sld [smem:$0x3FB3]  }
0x2e: {  	s3 =	simm.s32 @!p0 $0x1082;
	s9 =	sld [smem:$0x3FB4]  }
0x2f: {  	lr =	sadd.s32 s0, s3;
	s0 =	sld [smem:$0x3FAB]  }
0x30: {  	s3 =	sld [smem:$0x3FAE]  }
0x31: {  	[smem:$0x3FB7] =	sst s10  }
0x32: {  	s10 =	sld [smem:$0x3FB5];
	_ =	sdelay $0x3  }
0x33: {  	p0 =	seq.s32 s10, $0x1;
	s10 =	sld [smem:$0x3FB7];
	_ =	sdelay $0x3  }
0x34: {  	[smem:$0x3FB7] =	sst s10  }
0x35: {  	s10 =	sld [smem:$0x3FB6];
	_ =	sdelay $0x3  }
0x36: {  	p1 =	seq.s32 s10, $0x1;
	s10 =	sld [smem:$0x3FB7];
	_ =	sdelay $0x3  }
0x37: {  	[smem:$0x3FB7] =	sst s10  }
0x38: {  	s10 =	sld [smem:$0x3FB8]  }
0x39: {  	_ = 	snop;
	(pc) =	sbr.ind lr, $3  }
0x3a: {  	_ = 	snop  }
0x3b: {  	_ = 	snop  }
0x3c: {  	p2 =	seq.s32 s10, $0x1;
	s10 =	sld [smem:$0x3FB7]  }
0x3d: {  	_ =	shalt  }
0x3e: {  	_ =	shalt  }
0x3f: {  	_ =	shalt  }
0x40: {  	_ =	shalt  }
0x41: {  	_ =	shalt  }
0x42: {  	_ =	shalt  }
0x43: {  	_ =	shalt  }
0x44: {  	_ =	shalt  }
0x45: {  	_ =	shalt  }
0x46: {  	_ =	shalt  }
0x47: {  	_ =	shalt  }
0x48: {  	_ =	shalt  }
0x49: {  	_ =	shalt  }
0x4a: {  	_ =	shalt  }
0x4b: {  	_ =	shalt  }
0x4c: {  	_ =	shalt  }
0x4d: {  	_ =	shalt  }
0x4e: {  	_ =	shalt  }
0x4f: {  	_ =	shalt  }
0x50: {  	_ =	shalt  }
0x51: {  	_ =	shalt  }
0x52: {  	_ =	shalt  }
0x53: {  	_ =	shalt  }
0x54: {  	_ =	shalt  }
0x55: {  	_ =	shalt  }
0x56: {  	_ =	shalt  }
0x57: {  	_ =	shalt  }
0x58: {  	_ =	shalt  }
0x59: {  	_ =	shalt  }
0x5a: {  	_ =	shalt  }
0x5b: {  	_ =	shalt  }
0x5c: {  	_ =	shalt  }
0x5d: {  	_ =	shalt  }
0x5e: {  	_ =	shalt  }
0x5f: {  	_ =	shalt  }
0x60: {  	_ =	shalt  }
0x61: {  	_ =	shalt  }
0x62: {  	_ =	shalt  }
0x63: {  	_ =	shalt  }
0x64: {  	_ =	shalt  }
0x65: {  	_ =	shalt  }
0x66: {  	_ =	shalt  }
0x67: {  	_ =	shalt  }
0x68: {  	_ =	shalt  }
0x69: {  	_ =	shalt  }
0x6a: {  	_ =	shalt  }
0x6b: {  	_ =	shalt  }
0x6c: {  	_ =	shalt  }
0x6d: {  	_ =	shalt  }
0x6e: {  	_ =	shalt  }
0x6f: {  	_ =	shalt  }
0x70: {  	_ =	shalt  }
0x71: {  	_ =	shalt  }
0x72: {  	_ =	shalt  }
0x73: {  	_ =	shalt  }
0x74: {  	_ =	shalt  }
0x75: {  	_ =	shalt  }
0x76: {  	_ =	shalt  }
0x77: {  	_ =	shalt  }
0x78: {  	_ =	shalt  }
0x79: {  	_ =	shalt  }
0x7a: {  	_ =	shalt  }
0x7b: {  	_ =	shalt  }
0x7c: {  	_ =	shalt  }
0x7d: {  	_ =	shalt  }
0x7e: {  	_ =	shalt  }
0x7f: {  	_ =	shalt  }
0x80: {  	_ =	shalt  }
0x81: {  	_ =	shalt  }
0x82: {  	_ =	shalt  }
0x83: {  	_ =	shalt  }
0x84: {  	_ =	shalt  }
0x85: {  	_ =	shalt  }
0x86: {  	_ =	shalt  }
0x87: {  	_ =	shalt  }
.Lfunc_end0:
.L_simem_size_0:
called_computation_lowered:
.L_overlay_start_0:
0x88: {  	s2 =	sld [smem:$0x3FD9]  }
0x89: {  	s3 =	sld [smem:$0x3FFE];
	_ =	sdelay $0x1  }
0x8a: {  	s1 =	srdreg.scid  }
0x8b: {  	s0 =	sand.u32 $0x1, s1  }
0x8c: {  	s16 =	sshll.u32 s0, $0xA;
	s2 =	sadd.s32 s3, s2  }
0x8d: {  	s2 =	sadd.s32 s2, s16  }
0x8e: {  	[smem:$0x3FC3] =	sst s2  }
0x8f: {  	_ = 	snop  }
0x90: {  	(tm) =	ssettm $0x1  }
0x91: {  	s17 =	sld [smem:$0x3FFB];
	_ =	sdelay $0x3  }
0x92: {  	_ =	strace s17  }
0x93: {  	s2 =	sld [smem:$0x3FFC];
	_ =	sdelay $0x3  }
0x94: {  	_ =	strace s2  }
0x95: {  	s2 =	sld [smem:$0x3FFD];
	_ =	sdelay $0x3  }
0x96: {  	_ =	strace s2  }
0x97: {  	_ =	strace $0x8FFFFFFF  }
0x98: {  	s18 =	sld [smem:$0x3FDB];
	_ =	sdelay $0x1  }
0x99: {  	s19 =	simm.s32 $_scs_section_size  }
0x9a: {  	s4 =	simm.s32 $_size__tile_overlayer_lowered;
	s5 =	simm.s32 $_tile_overlayer_lowered  }
0x9b: {  	s22 =	simm.s32 $0x1BFF;
	s21 =	sshll.u32 s5, $0x1;
	s2 =	sadd.s32 s19, s18  }
0x9c: {  	s6 =	simm.s32 $0x0;
	s20 =	sshll.u32 s4, $0x1;
	s4 =	sadd.s32 s21, s2  }
0x9d: {  	[timem:s6], [sflag:s22] =	dma.local [hbm:s4], s20  }
0x9e: {  	_ =	swait.ge [sflag:s22], s20  }
0x9f: {  	s3 =	ssub.s32 $0x0, s20;
	[sflag:s22] =	ssyncset.done $0x0  }
0xa0: {  	[sflag:s22] =	ssyncadd.s32 s3;
	_ =	sdelay $0x1  }
0xa1: {  	s23 =	simm.s32 $0x1B8B  }
0xa2: {  	_ =	swait.ge [sflag:s23], $0x1  }
0xa3: {  	[sflag:s23] =	ssyncset.done $0x0  }
0xa4: {  	s25 =	simm.s32 $0x1B8E;
	s24 =	sld [smem:$0x3FFE];
	[sflag:s23] =	ssyncadd.s32 $0xFFFFFFFF  }
0xa5: {  	s26 =	simm.s32 $execute0_lowered;
	[smem:$0x3FD2] =	sst s25  }
0xa6: {  	s4 =	sshll.u32 s26, $0x1;
	_ =	strace $0x80000046;
	[dreg:$0x1] =	wrdreg $0xFFFFFFFF  }
0xa7: {  	s28 =	simm.s32 $_size_execute0_lowered;
	s2 =	sadd.s32 s2, s4;
	[dreg:$0x0] =	wrdreg $0x0  }
0xa8: {  	s4 =	sshll.u32 s28, $0x1;
	[dreg:$0x2] =	wrdreg s2  }
0xa9: {  	[dreg:$0x3] =	wrdreg s4  }
0xaa: {  	[dreg:$0x4] =	wrdreg $0xC0  }
0xab: {  	_ =	task [dreg:s6], $0x5FFFF  }
0xac: {  	[dreg:$0x1] =	wrdreg $0xFFFFFFFF  }
0xad: {  	[dreg:$0x0] =	wrdreg $0x60  }
0xae: {  	[dreg:$0x2] =	wrdreg s24  }
0xaf: {  	[dreg:$0x3] =	wrdreg $0x9  }
0xb0: {  	_ =	task.clear_ibuf [dreg:s6], $0x4FFFF;
	_ =	strace $0x90000046  }
0xb1: {  	s29 =	simm.s32 $0x9;
	_ =	strace $0x80000048  }
0xb2: {  	_ =	swait.ge [sflag:s29], $0x1  }
0xb3: {  	[sflag:s29] =	ssyncadd.s32 $0xFFFFFFFF  }
0xb4: {  	_ =	strace $0x90000048  }
0xb5: {  	_ =	sfence  }
0xb6: {  	s30 =	sld [smem:$0x0];
	_ =	sdelay $0x2  }
0xb7: {  	s31 =	sshll.u32 s1, $0xD;
	s1 =	sshrl.u32 s1, $0x2  }
0xb8: {  	s3 =	sand.u32 $0x4000, s31;
	s1 =	sadd.s32 s1, s30  }
0xb9: {  	s0 =	sor.u32 s3, s0;
	s1 =	sshll.u32 s1, $0x11  }
0xba: {  	s0 =	sor.u32 s1, s0  }
0xbb: {  	s0 =	sadd.s32 $0x8F2B, s0  }
0xbc: {  	[sflag:s0] =	ssyncadd.remote.s32 $0x1  }
0xbd: {  	_ =	sfence.sel $0xFFFF  }
0xbe: {  	[dreg:$0x0] =	wrdreg $0xFFFFFFFF;
	(pc) =	sbr.abs _section_cstart, $3  }
0xbf: {  	[dreg:$0x1] =	wrdreg $0xFFFFFFFF  }
0xc0: {  	_ =	task.clear_ibuf [dreg:s6], $0x2FFFF;
	_ =	strace $0x9FFFFFFF  }
0xc1: {  	(tm) =	ssettm $0x7FFFFFFF  }
tec
execute0_lowered:
.L_overlay_start_1:
0x0: {  	(tag) =	ssettag $0x1  }
0x1: {  	s4 =	rddreg [dreg:$0x0]  }
0x2: {  	s0 =	rddreg [dreg:$0x1];
	s2 =	simm.s32 $0x0;
	s1 =	stileid.u32  }
0x3: {  	s3 =	srdreg.scid;
	s12 =	simm.s32 $0x100;
	s13 =	simm.s32 $0x180  }
0x4: {  	s14 =	simm.s32 $0x200;
	s15 =	simm.s32 $0x4200;
	s16 =	simm.s32 $0x8200  }
0x5: {  	s17 =	simm.s32 $0xC200;
	s18 =	simm.s32 $0x1;
	s5 =	smul.u32 $0x68000, s1  }
0x6: {  	s19 =	simm.s32 $0x0;
	s6 =	sand.u32 $0x1, s3;
	s7 =	smul.u32 $0x6800, s1  }
0x7: {  	[smem:$0x7FF] =	sst s2;
	s3 =	sadd.s32 $0x4E200, s4;
	s9 =	smul.u32 $0x3400, s6  }
0x8: {  	s10 =	sadd.s32 $0x41200, s4;
	s8 =	ssub.s32 $0x2, s6;
	s6 =	smul.u32 $0x34000, s6  }
0x9: {  	_ =	strace $0x80000047;
	s11 =	sshrl.u32 s8, $0x1;
	s5 =	sadd.s32 s5, s4  }
0xa: {  	s28 =	ssub.s32 s8, s11;
	s29 =	sadd.s32 s9, s7;
	s5 =	sadd.s32 s6, s5  }
0xb: {  	s11 =	simm.s32 $0x80;
	s4 =	smax.u32 s28, $0x1;
	s30 =	sor.u32 $0x180, s29  }
0xc: {  	s5 =	sadd.s32 $0xEEE200, s5;
	s7 =	sor.u32 $0x100, s29;
	s9 =	sor.u32 $0x80, s29  }
0xd: {  	s31 =	sshrl.u32 s29, $0x3;
	s6 =	sshrl.u32 s30, $0x3;
	s7 =	sshrl.u32 s7, $0x3  }
0xe: {  	s9 =	sshrl.u32 s9, $0x3;
	s6 =	sadd.s32 s6, s10;
	s7 =	sadd.s32 s7, s10  }
0xf: {  	s8 =	sadd.s32 s9, s10;
	s9 =	sadd.s32 s31, s10;
	s10 =	simm.s32 $0x2  }
.LBB2_1:
0x10: {  	[tilespmem:s2], [sflag:$0x2] =	stream.linear.gather [hbm4b:s9+s2], $0x80, $0x38;
	[tilespmem:$0x10200] =	vst v63  }
0x11: {  	_ =	swait.ge [sflag:s10], $0x80  }
0x12: {  	[sflag:s10] =	ssyncset.done $0x0  }
0x13: {  	[sflag:s10] =	ssyncadd.s32 $0xFFFFFF80  }
0x14: {  	[tilespmem:s11], [sflag:$0x2] =	stream.linear.gather [hbm4b:s8+s2], $0x80, $0x38;
	[tilespmem:$0x10200] =	vst v63  }
0x15: {  	_ =	swait.ge [sflag:s10], $0x80  }
0x16: {  	[sflag:s10] =	ssyncset.done $0x0  }
0x17: {  	[sflag:s10] =	ssyncadd.s32 $0xFFFFFF80  }
0x18: {  	[tilespmem:s12], [sflag:$0x2] =	stream.linear.gather [hbm4b:s7+s2], $0x80, $0x38;
	[tilespmem:$0x10200] =	vst v63  }
0x19: {  	_ =	swait.ge [sflag:s10], $0x80  }
0x1a: {  	[sflag:s10] =	ssyncset.done $0x0  }
0x1b: {  	[sflag:s10] =	ssyncadd.s32 $0xFFFFFF80  }
0x1c: {  	[tilespmem:s13], [sflag:$0x2] =	stream.linear.gather [hbm4b:s6+s2], $0x80, $0x38;
	[tilespmem:$0x10200] =	vst v63  }
0x1d: {  	_ =	swait.ge [sflag:s10], $0x80  }
0x1e: {  	[sflag:s10] =	ssyncset.done $0x0  }
0x1f: {  	[sflag:s10] =	ssyncadd.s32 $0xFFFFFF80  }
0x20: {  	[tilespmem:s14], [sflag:$0x1] =	stream.indirect.gather [hbm4b:s3+s11], $0x80, s2, s11, $0xb8;
	[tilespmem:$0x10200] =	vst v63  }
0x21: {  	_ = 	snop  }
0x22: {  	[tilespmem:s15], [sflag:$0x1] =	stream.indirect.gather [hbm4b:s3+s11], $0x80, s11, s11, $0xb8;
	[tilespmem:$0x10200] =	vst v63  }
0x23: {  	_ = 	snop  }
0x24: {  	[tilespmem:s16], [sflag:$0x1] =	stream.indirect.gather [hbm4b:s3+s11], $0x80, s12, s11, $0xb8;
	[tilespmem:$0x10200] =	vst v63  }
0x25: {  	_ = 	snop  }
0x26: {  	[tilespmem:s17], [sflag:$0x1] =	stream.indirect.gather [hbm4b:s3+s11], $0x80, s13, s11, $0xb8;
	[tilespmem:$0x10200] =	vst v63  }
0x27: {  	_ =	swait.ge [sflag:s18], $0x4000  }
0x28: {  	[sflag:s18] =	ssyncset.done $0x0  }
0x29: {  	[sflag:s18] =	ssyncadd.s32 $0xFFFFC000  }
0x2a: {  	_ =	swait.ge [sflag:s18], $0x4000  }
0x2b: {  	[sflag:s18] =	ssyncset.done $0x0  }
0x2c: {  	[sflag:s18] =	ssyncadd.s32 $0xFFFFC000  }
0x2d: {  	_ =	swait.ge [sflag:s18], $0x4000  }
0x2e: {  	[sflag:s18] =	ssyncset.done $0x0  }
0x2f: {  	[sflag:s18] =	ssyncadd.s32 $0xFFFFC000  }
0x30: {  	_ =	swait.ge [sflag:s18], $0x4000  }
0x31: {  	[sflag:s18] =	ssyncset.done $0x0  }
0x32: {  	s20 =	sadd.s32 $0x0, s5;
	[sflag:s18] =	ssyncadd.s32 $0xFFFFC000  }
0x33: {  	[hbm4b:s20+s2] =	stream.linear.scatter [tilespmem:s14], [sflag:$0x2], $0x4000, $0x38;
	[tilespmem:$0x10200] =	vst v63  }
0x34: {  	_ =	swait.ge [sflag:s10], $0x4000  }
0x35: {  	[sflag:s10] =	ssyncset.done $0x0  }
0x36: {  	s21 =	sadd.s32 $0x800, s20;
	[sflag:s10] =	ssyncadd.s32 $0xFFFFC000  }
0x37: {  	[hbm4b:s21+s2] =	stream.linear.scatter [tilespmem:s15], [sflag:$0x2], $0x4000, $0x38;
	[tilespmem:$0x10200] =	vst v63  }
0x38: {  	_ =	swait.ge [sflag:s10], $0x4000  }
0x39: {  	[sflag:s10] =	ssyncset.done $0x0  }
0x3a: {  	s31 =	sadd.s32 $0x1000, s20;
	[sflag:s10] =	ssyncadd.s32 $0xFFFFC000  }
0x3b: {  	[hbm4b:s31+s2] =	stream.linear.scatter [tilespmem:s16], [sflag:$0x2], $0x4000, $0x38;
	[tilespmem:$0x10200] =	vst v63  }
0x3c: {  	_ =	swait.ge [sflag:s10], $0x4000  }
0x3d: {  	[sflag:s10] =	ssyncset.done $0x0  }
0x3e: {  	s22 =	sadd.s32 $0x40, s9;
	s20 =	sadd.s32 $0x1800, s20;
	[sflag:s10] =	ssyncadd.s32 $0xFFFFC000  }
0x3f: {  	[hbm4b:s20+s2] =	stream.linear.scatter [tilespmem:s17], [sflag:$0x2], $0x4000, $0x38;
	[tilespmem:$0x10200] =	vst v63  }
0x40: {  	s23 =	smov.u32 s6;
	s24 =	smov.u32 s7;
	_ =	swait.ge [sflag:s10], $0x4000  }
0x41: {  	s21 =	sadd.s32 $0x40, s8;
	s20 =	simm.s32 $0x2000;
	[sflag:s10] =	ssyncset.done $0x0  }
.LBB2_2:
0x42: {  	[sflag:s10] =	ssyncadd.s32 $0xFFFFC000  }
0x43: {  	s23 =	sadd.s32 $0x40, s23;
	s24 =	sadd.s32 $0x40, s24;
	s25 =	smov.u32 s20  }
0x44: {  	[tilespmem:s2], [sflag:$0x2] =	stream.linear.gather [hbm4b:s22+s2], $0x80, $0x38;
	[tilespmem:$0x10200] =	vst v63  }
0x45: {  	p0 =	sne.s32 s20, $0x32000;
	s20 =	sadd.s32 $0x2000, s20;
	_ =	swait.ge [sflag:s10], $0x80  }
0x46: {  	[sflag:s10] =	ssyncset.done $0x0  }
0x47: {  	[sflag:s10] =	ssyncadd.s32 $0xFFFFFF80  }
0x48: {  	[tilespmem:s11], [sflag:$0x2] =	stream.linear.gather [hbm4b:s21+s2], $0x80, $0x38;
	[tilespmem:$0x10200] =	vst v63  }
0x49: {  	_ =	swait.ge [sflag:s10], $0x80  }
0x4a: {  	[sflag:s10] =	ssyncset.done $0x0  }
0x4b: {  	[sflag:s10] =	ssyncadd.s32 $0xFFFFFF80  }
0x4c: {  	[tilespmem:s12], [sflag:$0x2] =	stream.linear.gather [hbm4b:s24+s2], $0x80, $0x38;
	[tilespmem:$0x10200] =	vst v63  }
0x4d: {  	_ =	swait.ge [sflag:s10], $0x80  }
0x4e: {  	[sflag:s10] =	ssyncset.done $0x0  }
0x4f: {  	[sflag:s10] =	ssyncadd.s32 $0xFFFFFF80  }
0x50: {  	[tilespmem:s13], [sflag:$0x2] =	stream.linear.gather [hbm4b:s23+s2], $0x80, $0x38;
	[tilespmem:$0x10200] =	vst v63  }
0x51: {  	_ =	swait.ge [sflag:s10], $0x80  }
0x52: {  	[sflag:s10] =	ssyncset.done $0x0  }
0x53: {  	[sflag:s10] =	ssyncadd.s32 $0xFFFFFF80  }
0x54: {  	[tilespmem:s14], [sflag:$0x1] =	stream.indirect.gather [hbm4b:s3+s11], $0x80, s2, s11, $0xb8;
	[tilespmem:$0x10200] =	vst v63  }
0x55: {  	_ = 	snop  }
0x56: {  	[tilespmem:s15], [sflag:$0x1] =	stream.indirect.gather [hbm4b:s3+s11], $0x80, s11, s11, $0xb8;
	[tilespmem:$0x10200] =	vst v63  }
0x57: {  	_ = 	snop  }
0x58: {  	[tilespmem:s16], [sflag:$0x1] =	stream.indirect.gather [hbm4b:s3+s11], $0x80, s12, s11, $0xb8;
	[tilespmem:$0x10200] =	vst v63  }
0x59: {  	_ = 	snop  }
0x5a: {  	[tilespmem:s17], [sflag:$0x1] =	stream.indirect.gather [hbm4b:s3+s11], $0x80, s13, s11, $0xb8;
	[tilespmem:$0x10200] =	vst v63  }
0x5b: {  	_ =	swait.ge [sflag:s18], $0x4000  }
0x5c: {  	[sflag:s18] =	ssyncset.done $0x0  }
0x5d: {  	[sflag:s18] =	ssyncadd.s32 $0xFFFFC000  }
0x5e: {  	_ =	swait.ge [sflag:s18], $0x4000  }
0x5f: {  	[sflag:s18] =	ssyncset.done $0x0  }
0x60: {  	[sflag:s18] =	ssyncadd.s32 $0xFFFFC000  }
0x61: {  	_ =	swait.ge [sflag:s18], $0x4000  }
0x62: {  	[sflag:s18] =	ssyncset.done $0x0  }
0x63: {  	[sflag:s18] =	ssyncadd.s32 $0xFFFFC000  }
0x64: {  	_ =	swait.ge [sflag:s18], $0x4000  }
0x65: {  	[sflag:s18] =	ssyncset.done $0x0  }
0x66: {  	s25 =	sadd.s32 s25, s5;
	[sflag:s18] =	ssyncadd.s32 $0xFFFFC000  }
0x67: {  	[hbm4b:s25+s2] =	stream.linear.scatter [tilespmem:s14], [sflag:$0x2], $0x4000, $0x38;
	[tilespmem:$0x10200] =	vst v63  }
0x68: {  	_ =	swait.ge [sflag:s10], $0x4000  }
0x69: {  	[sflag:s10] =	ssyncset.done $0x0  }
0x6a: {  	s26 =	sadd.s32 $0x800, s25;
	[sflag:s10] =	ssyncadd.s32 $0xFFFFC000  }
0x6b: {  	[hbm4b:s26+s2] =	stream.linear.scatter [tilespmem:s15], [sflag:$0x2], $0x4000, $0x38;
	[tilespmem:$0x10200] =	vst v63  }
0x6c: {  	_ =	swait.ge [sflag:s10], $0x4000  }
0x6d: {  	[sflag:s10] =	ssyncset.done $0x0  }
0x6e: {  	s26 =	sadd.s32 $0x1000, s25;
	[sflag:s10] =	ssyncadd.s32 $0xFFFFC000  }
0x6f: {  	[hbm4b:s26+s2] =	stream.linear.scatter [tilespmem:s16], [sflag:$0x2], $0x4000, $0x38;
	[tilespmem:$0x10200] =	vst v63  }
0x70: {  	_ =	swait.ge [sflag:s10], $0x4000  }
.Ltmp0:
0x71: {  	[sflag:s10] =	ssyncset.done $0x0;
	(pc) =	sbr.rel @p0 .LBB2_2-.Ltmp0, $4  }
0x72: {  	s25 =	sadd.s32 $0x1800, s25;
	[sflag:s10] =	ssyncadd.s32 $0xFFFFC000  }
0x73: {  	[hbm4b:s25+s2] =	stream.linear.scatter [tilespmem:s17], [sflag:$0x2], $0x4000, $0x38;
	[tilespmem:$0x10200] =	vst v63  }
0x74: {  	_ =	swait.ge [sflag:s10], $0x4000  }
0x75: {  	s22 =	sadd.s32 $0x40, s22;
	s21 =	sadd.s32 $0x40, s21;
	[sflag:s10] =	ssyncset.done $0x0  }
0x76: {  	s19 =	sadd.s32 $0x1, s19  }
0x77: {  	p0 =	sne.s32 s19, s4  }
.Ltmp1:
0x78: {  	_ = 	snop;
	(pc) =	sbr.rel @p0 .LBB2_1-.Ltmp1, $2  }
0x79: {  	_ =	sdelay $0x2  }
0x7a: {  	[sflag:s10] =	ssyncadd.s32 $0xFFFFC000  }
0x7b: {  	_ =	sfence.sel $0x180000  }
0x7c: {  	[bflag:$0x0] =	sbarrier.arrive $0xFFFF  }
0x7d: {  	p0 =	sne.s32 s1, $0x0;
	_ =	strace $0x90000047  }
0x7e: {  	s0 =	sadd.s32 @!p0 $0x100000, s0;
	[bflag:$0x2] =	sbarrier.arrive $0xFFFF  }
0x7f: {  	[sflag:s0] =	ssyncadd.tile.s32 @!p0 $0x1;
	_ =	shalt  }
.Lfunc_end2:
_tile_overlayer_lowered:
.L_overlay_start_2:
0x80: {  	(tag) =	ssettag $0x2  }
0x81: {  	s0 =	rddreg [dreg:$0x0];
	s2 =	stileid.u32  }
0x82: {  	s1 =	rddreg [dreg:$0x1];
	p0 =	sne.s32 s2, $0x0  }
0x83: {  	s3 =	rddreg [dreg:$0x2];
	[bflag:$0x3] =	sbarrier.arrive $0xFFFF;
	s2 =	simm.s32 @!p0 $0x1C02  }
0x84: {  	[timem:s3], [sflag:s2] =	dma.local @!p0 [hbm:s0], s1  }
0x85: {  	s0 =	simm.s32 @!p0 $0x2  }
0x86: {  	_ =	swait.ge @!p0 [sflag:s0], s1  }
0x87: {  	s1 =	ssub.s32 @!p0 $0x0, s1;
	[sflag:s0] =	ssyncset.done @!p0 $0x0  }
0x88: {  	[sflag:s0] =	ssyncadd.s32 @!p0 s1  }
0x89: {  	[bflag:$0x3] =	sbarrier.arrive $0xFFFF  }
0x8a: {  	_ =	shalt  }

</sc_bundles>
